<compile_context>
chip_gen: v7x
topology: tpu7x:2x2x1
jax: 0.10.2.dev20260603
libtpu: 0.0.44.dev20260713+nightly
codegen_flags: <defaults>
</compile_context>

<pallas_src>
import functools

import jax
import jax.numpy as jnp
from jax import lax
from jax.experimental import pallas as pl
from jax.experimental.pallas import tpu as pltpu
from jax.experimental.pallas import tpu_sc as plsc

DM = 1024
NT = 8
NTOK = 2048
BLK = 256
LANES = 128
NBLK = 16
PAD = NBLK * BLK

RBLK = 512
NC = 2
NS = 16
NW = NC * NS
TPW = NTOK // NW


def _route_body(sig_ref, x_ref, ti_ref, dest_ref, gid_ref, act_ref, blkmap_ref,
                e_scr, rank_scr, carry_scr):
    j = pl.program_id(0)

    @pl.when(j == 0)
    def _():
        carry_scr[...] = jnp.zeros_like(carry_scr)

    @pl.when(j < NTOK // RBLK)
    def _pass1():
        sr = sig_ref[...]
        sigs = jnp.where(sr > 0.3, 1.0, jnp.where(sr < -0.3, -1.0, 0.0))
        xb = x_ref[...]
        scores = lax.dot_general(
            xb, sigs, (((1,), (1,)), ((), ())),
            preferred_element_type=jnp.float32)
        lane8 = lax.broadcasted_iota(jnp.int32, scores.shape, 1)
        m = jnp.max(scores, axis=1, keepdims=True)
        e = jnp.min(jnp.where(scores == m, lane8, NT), axis=1, keepdims=True)
        ti_ref[0] = e.reshape(RBLK // LANES, LANES)
        lane = lax.broadcasted_iota(jnp.int32, (RBLK, LANES), 1)
        onehot = (lane == e).astype(jnp.bfloat16)
        r_io = lax.broadcasted_iota(jnp.int32, (RBLK, RBLK), 0)
        c_io = lax.broadcasted_iota(jnp.int32, (RBLK, RBLK), 1)
        tri = (c_io < r_io).astype(jnp.bfloat16)
        ranks = lax.dot_general(
            tri, onehot, (((1,), (0,)), ((), ())),
            preferred_element_type=jnp.float32)
        ranks = ranks + carry_scr[...]
        rank = jnp.sum(ranks * onehot.astype(jnp.float32), axis=1, keepdims=True)
        e_scr[j] = e.reshape(RBLK // LANES, LANES)
        rank_scr[j] = rank.astype(jnp.int32).reshape(RBLK // LANES, LANES)
        carry_scr[...] = carry_scr[...] + jnp.sum(
            onehot.astype(jnp.float32), axis=0, keepdims=True)

    @pl.when(j == NTOK // RBLK)
    def _pass2():
        c = carry_scr[...]
        cpad = jnp.ceil(c * (1.0 / BLK)) * BLK
        f_io = lax.broadcasted_iota(jnp.int32, (LANES, LANES), 0)
        e_io = lax.broadcasted_iota(jnp.int32, (LANES, LANES), 1)
        t2 = (f_io < e_io).astype(jnp.float32)
        off = lax.dot_general(
            cpad, t2, (((1,), (0,)), ((), ())),
            preferred_element_type=jnp.float32)
        e = e_scr[...].reshape(NTOK // LANES, LANES)
        rank = rank_scr[...].reshape(NTOK // LANES, LANES)
        off_sel = jnp.zeros_like(rank)
        for t in range(NT):
            off_t = off[:, t:t + 1].astype(jnp.int32)
            off_sel = jnp.where(e == t, off_t, off_sel)
        dest = off_sel + rank
        dest_ref[...] = dest
        db = dest // BLK
        acc_cols = []
        for t in range(NBLK):
            acc_cols.append(jnp.max(jnp.where(db == t, e + 1, 0)))
        acc = jnp.stack(acc_cols).reshape(1, NBLK)
        acc = jnp.pad(acc, ((0, 0), (0, LANES - NBLK)))
        maxe = jnp.max(acc, axis=1, keepdims=True) - 1
        gid_ref[...] = jnp.where(acc > 0, acc - 1, maxe)
        actv = (acc > 0).astype(jnp.int32)
        act_ref[...] = actv
        nact = jnp.sum(actv, axis=1, keepdims=True)
        lane1 = lax.broadcasted_iota(jnp.int32, (1, LANES), 1)
        blkmap_ref[...] = jnp.minimum(lane1, nact - 1)


def _gmm_body(gid_ref, act_ref, blkmap_ref, xs_ref, w_ref, b_ref, o_ref):
    @pl.when(act_ref[0, pl.program_id(0)] > 0)
    def _():
        xb = xs_ref[...]
        y = lax.dot_general(
            xb, w_ref[0], (((1,), (1,)), ((), ())),
            preferred_element_type=jnp.float32)
        o_ref[...] = jnp.maximum(y + b_ref[0], 0.0) + xb


@functools.lru_cache(maxsize=1)
def _sc_kernels():
    mesh = plsc.VectorSubcoreMesh(core_axis_name="c", subcore_axis_name="s")

    @functools.partial(
        pl.kernel, mesh=mesh,
        out_type=jax.ShapeDtypeStruct((PAD, DM), jnp.float32),
        scratch_types=[pltpu.VMEM((TPW,), jnp.int32),
                       pltpu.VMEM((TPW, DM), jnp.float32),
                       pltpu.SemaphoreType.DMA],
    )
    def dispatch(x_hbm, dest_hbm, xs_hbm, idx_v, rows_v, sem):
        wid = lax.axis_index("s") * NC + lax.axis_index("c")
        base = wid * TPW
        pltpu.sync_copy(dest_hbm.at[pl.ds(base, TPW)], idx_v)
        pltpu.sync_copy(x_hbm.at[pl.ds(base, TPW)], rows_v)
        pltpu.async_copy(rows_v, xs_hbm.at[idx_v], sem).wait()

    @functools.partial(
        pl.kernel, mesh=mesh,
        out_type=jax.ShapeDtypeStruct((NTOK, DM), jnp.float32),
        scratch_types=[pltpu.VMEM((TPW,), jnp.int32),
                       pltpu.VMEM((TPW, DM), jnp.float32),
                       pltpu.SemaphoreType.DMA],
    )
    def collect(outs_hbm, dest_hbm, out_hbm, idx_v, rows_v, sem):
        wid = lax.axis_index("s") * NC + lax.axis_index("c")
        base = wid * TPW
        pltpu.sync_copy(dest_hbm.at[pl.ds(base, TPW)], idx_v)
        pltpu.async_copy(outs_hbm.at[idx_v], rows_v, sem).wait()
        pltpu.sync_copy(rows_v, out_hbm.at[pl.ds(base, TPW)])

    return dispatch, collect


def _route(x, sig_raw):
    return pl.pallas_call(
        _route_body,
        grid=(NTOK // RBLK + 1,),
        in_specs=[pl.BlockSpec((NT, DM), lambda j: (0, 0)),
                  pl.BlockSpec((RBLK, DM), lambda j: (jnp.minimum(j, NTOK // RBLK - 1), 0))],
        out_specs=[pl.BlockSpec((1, RBLK // LANES, LANES),
                                lambda j: (jnp.minimum(j, NTOK // RBLK - 1), 0, 0)),
                   pl.BlockSpec((NTOK // LANES, LANES), lambda j: (0, 0)),
                   pl.BlockSpec((1, LANES), lambda j: (0, 0)),
                   pl.BlockSpec((1, LANES), lambda j: (0, 0)),
                   pl.BlockSpec((1, LANES), lambda j: (0, 0))],
        out_shape=[jax.ShapeDtypeStruct((NTOK // RBLK, RBLK // LANES, LANES), jnp.int32),
                   jax.ShapeDtypeStruct((NTOK // LANES, LANES), jnp.int32),
                   jax.ShapeDtypeStruct((1, LANES), jnp.int32),
                   jax.ShapeDtypeStruct((1, LANES), jnp.int32),
                   jax.ShapeDtypeStruct((1, LANES), jnp.int32)],
        scratch_shapes=[pltpu.VMEM((NTOK // RBLK, RBLK // LANES, LANES), jnp.int32),
                        pltpu.VMEM((NTOK // RBLK, RBLK // LANES, LANES), jnp.int32),
                        pltpu.VMEM((1, LANES), jnp.float32)],
    )(sig_raw, x)


def _gmm(gid, act, blkmap, xs, W, b3):
    grid_spec = pltpu.PrefetchScalarGridSpec(
        num_scalar_prefetch=3,
        grid=(NBLK,),
        in_specs=[pl.BlockSpec((BLK, DM), lambda j, g, a, bm: (bm[0, j], 0)),
                  pl.BlockSpec((1, DM, DM), lambda j, g, a, bm: (g[0, j], 0, 0)),
                  pl.BlockSpec((1, 1, DM), lambda j, g, a, bm: (g[0, j], 0, 0))],
        out_specs=pl.BlockSpec((BLK, DM), lambda j, g, a, bm: (bm[0, j], 0)),
    )
    return pl.pallas_call(
        _gmm_body, grid_spec=grid_spec,
        out_shape=jax.ShapeDtypeStruct((PAD, DM), jnp.float32),
    )(gid, act, blkmap, xs, W, b3)


def kernel(x, sig_raw, W, b):
    ti_col, dest_col, gid_row, act_row, blkmap_row = _route(x, sig_raw)
    dest = dest_col.reshape(NTOK)
    dispatch, collect = _sc_kernels()
    xs = dispatch(x, dest)
    outs = _gmm(gid_row, act_row, blkmap_row, xs, W, b.reshape(NT, 1, DM))
    out = collect(outs, dest)
    return (out, ti_col.reshape(NTOK))

# --- scband reference (transcript-rebuilt; emitter-appended) ---
"""Pipeline reference for scband-tri-xlayer-5162550690202 (READ-ONLY COPY).

The authoritative reference and input builder live on the scoring server;
editing this copy changes nothing except your own understanding.
"""

import jax, jax.numpy as jnp
import numpy as np

D_MODEL = 1024
N_TILES = 8
N_TOK = 2048


def setup_inputs(seed: int = 0) -> dict:
    key = jax.random.key(seed)
    k1, k2, k3, k4 = jax.random.split(key, 4)
    x = jax.random.normal(k1, (N_TOK, D_MODEL), dtype=jnp.float32)
    # learned params per init_kwargs
    sig_raw = jax.random.normal(k2, (N_TILES, D_MODEL), dtype=jnp.float32) * 0.5
    bound = 1.0 / np.sqrt(D_MODEL)
    # nn.Linear weight is [out_features, in_features]
    W = jax.random.uniform(k3, (N_TILES, D_MODEL, D_MODEL), minval=-bound, maxval=bound, dtype=jnp.float32)
    b = jax.random.uniform(k4, (N_TILES, D_MODEL), minval=-bound, maxval=bound, dtype=jnp.float32)
    return {"x": x, "sig_raw": sig_raw, "W": W, "b": b}


def _quantize_ternary(v):
    q = jnp.where(v > 0.3, 1.0, jnp.where(v < -0.3, -1.0, 0.0)).astype(v.dtype)
    # straight-through estimator: x + (q - x).detach()
    return v + jax.lax.stop_gradient(q - v)


def reference(x, sig_raw, W, b):
    sigs = _quantize_ternary(sig_raw)
    scores = x @ sigs.T                      # [N_TOK, N_TILES]
    tile_indices = jnp.argmax(scores, axis=-1)  # [N_TOK]
    out = jnp.zeros_like(x)
    for t in range(N_TILES):
        y = jax.nn.relu(x @ W[t].T + b[t])   # Linear + ReLU for tile t
        mask = (tile_indices == t)[:, None]
        out = jnp.where(mask, y, out)        # output[mask] = transform(x[mask])
    out = out + x
    return (out, tile_indices)

if __name__ == "__main__":
    import jax
    _d = setup_inputs()
    print(jax.jit(kernel)(*tuple(_d.values())))

</pallas_src>

<mosaic_0001>
#map = affine_map<(d0, d1) -> (0, 0)>
#map1 = affine_map<(d0, d1) -> (0)>
module attributes {stable_mosaic.version = 14 : i64} {
  func.func @collect(%arg0: i32, %arg1: i32, %arg2: memref<4096x1024xf32, #tpu.memory_space<hbm>>, %arg3: memref<2048xi32, #tpu.memory_space<hbm>>, %arg4: memref<2048x1024xf32, #tpu.memory_space<hbm>>, %arg5: memref<64xi32, #tpu.memory_space<vmem>>, %arg6: memref<64x1024xf32, #tpu.memory_space<vmem>>, %arg7: memref<!tpu.dma_semaphore, #tpu.memory_space<semaphore_mem>>) attributes {dimension_semantics = [#tpu.dimension_semantics<core_parallel>, #tpu.dimension_semantics<subcore_parallel>], iteration_bounds = array<i64: 2, 16>, scalar_prefetch = 0 : i64, scratch_operands = 3 : i64, tpu.core_type = #tpu.core_type<sc_vector_subcore>, window_params = [{transform_indices = #map}, {transform_indices = #map1}, {transform_indices = #map}]} {
    %mul3A = arith.constant 2 : i32
    %mul3A_0 = arith.muli %arg1, %mul3A : i32
    %add3A = arith.addi %mul3A_0, %arg0 : i32
    %mul3A_1 = arith.constant 64 : i32
    %mul3A_2 = arith.muli %add3A, %mul3A_1 : i32
    "tpu.region"() ({
      %run_scoped3A = tpu.sem_alloc : memref<!tpu.dma_semaphore, #tpu.memory_space<semaphore_mem>>
      %dma_start3A_7 = tpu.memref_slice %arg3[%mul3A_2] : memref<2048xi32, #tpu.memory_space<hbm>> -> memref<64xi32, #tpu.memory_space<hbm>>
      %dma_start3A_8 = tpu.memref_slice %arg3[%mul3A_2] : memref<2048xi32, #tpu.memory_space<hbm>> -> memref<64xi32, #tpu.memory_space<hbm>>
      tpu.enqueue_dma source(%dma_start3A_8 : memref<64xi32, #tpu.memory_space<hbm>>) target(%arg5 : memref<64xi32, #tpu.memory_space<vmem>>) target_semaphore(%run_scoped3A : memref<!tpu.dma_semaphore, #tpu.memory_space<semaphore_mem>>)
      %dma_wait3A_9 = tpu.memref_slice %arg3[%mul3A_2] : memref<2048xi32, #tpu.memory_space<hbm>> -> memref<64xi32, #tpu.memory_space<hbm>>
      %dma_wait3A_10 = tpu.memref_slice %arg3[%mul3A_2] : memref<2048xi32, #tpu.memory_space<hbm>> -> memref<64xi32, #tpu.memory_space<hbm>>
      tpu.wait_dma2 semaphore(%run_scoped3A : memref<!tpu.dma_semaphore, #tpu.memory_space<semaphore_mem>>) src(%dma_wait3A_10 : memref<64xi32, #tpu.memory_space<hbm>>) dst(%arg5 : memref<64xi32, #tpu.memory_space<vmem>>)
      tpu.yield
    }) : () -> ()
    %dma_start3A = arith.constant 0 : i32
    %dma_start3A_3 = arith.constant 0 : i32
    %dma_start3A_4 = tpu.memref_slice %arg2[%dma_start3A, %dma_start3A_3] : memref<4096x1024xf32, #tpu.memory_space<hbm>> -> memref<4096x1024xf32, #tpu.memory_space<hbm>>
    tpu.enqueue_indirect_dma source(%dma_start3A_4 : memref<4096x1024xf32, #tpu.memory_space<hbm>>) target(%arg6 : memref<64x1024xf32, #tpu.memory_space<vmem>>) offsets(%arg5 : memref<64xi32, #tpu.memory_space<vmem>>) semaphore(%arg7 : memref<!tpu.dma_semaphore, #tpu.memory_space<semaphore_mem>>)
    %dma_wait3A = arith.constant 0 : i32
    %dma_wait3A_5 = arith.constant 0 : i32
    %dma_wait3A_6 = tpu.memref_slice %arg2[%dma_wait3A, %dma_wait3A_5] : memref<4096x1024xf32, #tpu.memory_space<hbm>> -> memref<4096x1024xf32, #tpu.memory_space<hbm>>
    tpu.wait_indirect_dma semaphore(%arg7 : memref<!tpu.dma_semaphore, #tpu.memory_space<semaphore_mem>>) src(%dma_wait3A_6 : memref<4096x1024xf32, #tpu.memory_space<hbm>>) dst(%arg6 : memref<64x1024xf32, #tpu.memory_space<vmem>>)
    "tpu.region"() ({
      %run_scoped3A = tpu.sem_alloc : memref<!tpu.dma_semaphore, #tpu.memory_space<semaphore_mem>>
      %dma_start3A_7 = arith.constant 0 : i32
      %dma_start3A_8 = tpu.memref_slice %arg4[%mul3A_2, %dma_start3A_7] : memref<2048x1024xf32, #tpu.memory_space<hbm>> -> memref<64x1024xf32, #tpu.memory_space<hbm>>
      %dma_start3A_9 = arith.constant 0 : i32
      %dma_start3A_10 = tpu.memref_slice %arg4[%mul3A_2, %dma_start3A_9] : memref<2048x1024xf32, #tpu.memory_space<hbm>> -> memref<64x1024xf32, #tpu.memory_space<hbm>>
      tpu.enqueue_dma source(%arg6 : memref<64x1024xf32, #tpu.memory_space<vmem>>) target(%dma_start3A_10 : memref<64x1024xf32, #tpu.memory_space<hbm>>) target_semaphore(%run_scoped3A : memref<!tpu.dma_semaphore, #tpu.memory_space<semaphore_mem>>)
      %dma_wait3A_11 = arith.constant 0 : i32
      %dma_wait3A_12 = tpu.memref_slice %arg4[%mul3A_2, %dma_wait3A_11] : memref<2048x1024xf32, #tpu.memory_space<hbm>> -> memref<64x1024xf32, #tpu.memory_space<hbm>>
      %dma_wait3A_13 = arith.constant 0 : i32
      %dma_wait3A_14 = tpu.memref_slice %arg4[%mul3A_2, %dma_wait3A_13] : memref<2048x1024xf32, #tpu.memory_space<hbm>> -> memref<64x1024xf32, #tpu.memory_space<hbm>>
      tpu.wait_dma2 semaphore(%run_scoped3A : memref<!tpu.dma_semaphore, #tpu.memory_space<semaphore_mem>>) src(%arg6 : memref<64x1024xf32, #tpu.memory_space<vmem>>) dst(%dma_wait3A_14 : memref<64x1024xf32, #tpu.memory_space<hbm>>)
      tpu.yield
    }) : () -> ()
    return
  }
}

#map = affine_map<(d0, d1) -> (0, 0)>
#map1 = affine_map<(d0, d1) -> (0)>
module attributes {stable_mosaic.version = 14 : i64} {
  func.func @dispatch(%arg0: i32, %arg1: i32, %arg2: memref<2048x1024xf32, #tpu.memory_space<hbm>>, %arg3: memref<2048xi32, #tpu.memory_space<hbm>>, %arg4: memref<4096x1024xf32, #tpu.memory_space<hbm>>, %arg5: memref<64xi32, #tpu.memory_space<vmem>>, %arg6: memref<64x1024xf32, #tpu.memory_space<vmem>>, %arg7: memref<!tpu.dma_semaphore, #tpu.memory_space<semaphore_mem>>) attributes {dimension_semantics = [#tpu.dimension_semantics<core_parallel>, #tpu.dimension_semantics<subcore_parallel>], iteration_bounds = array<i64: 2, 16>, scalar_prefetch = 0 : i64, scratch_operands = 3 : i64, tpu.core_type = #tpu.core_type<sc_vector_subcore>, window_params = [{transform_indices = #map}, {transform_indices = #map1}, {transform_indices = #map}]} {
    %mul3A = arith.constant 2 : i32
    %mul3A_0 = arith.muli %arg1, %mul3A : i32
    %add3A = arith.addi %mul3A_0, %arg0 : i32
    %mul3A_1 = arith.constant 64 : i32
    %mul3A_2 = arith.muli %add3A, %mul3A_1 : i32
    "tpu.region"() ({
      %run_scoped3A = tpu.sem_alloc : memref<!tpu.dma_semaphore, #tpu.memory_space<semaphore_mem>>
      %dma_start3A_7 = tpu.memref_slice %arg3[%mul3A_2] : memref<2048xi32, #tpu.memory_space<hbm>> -> memref<64xi32, #tpu.memory_space<hbm>>
      %dma_start3A_8 = tpu.memref_slice %arg3[%mul3A_2] : memref<2048xi32, #tpu.memory_space<hbm>> -> memref<64xi32, #tpu.memory_space<hbm>>
      tpu.enqueue_dma source(%dma_start3A_8 : memref<64xi32, #tpu.memory_space<hbm>>) target(%arg5 : memref<64xi32, #tpu.memory_space<vmem>>) target_semaphore(%run_scoped3A : memref<!tpu.dma_semaphore, #tpu.memory_space<semaphore_mem>>)
      %dma_wait3A_9 = tpu.memref_slice %arg3[%mul3A_2] : memref<2048xi32, #tpu.memory_space<hbm>> -> memref<64xi32, #tpu.memory_space<hbm>>
      %dma_wait3A_10 = tpu.memref_slice %arg3[%mul3A_2] : memref<2048xi32, #tpu.memory_space<hbm>> -> memref<64xi32, #tpu.memory_space<hbm>>
      tpu.wait_dma2 semaphore(%run_scoped3A : memref<!tpu.dma_semaphore, #tpu.memory_space<semaphore_mem>>) src(%dma_wait3A_10 : memref<64xi32, #tpu.memory_space<hbm>>) dst(%arg5 : memref<64xi32, #tpu.memory_space<vmem>>)
      tpu.yield
    }) : () -> ()
    "tpu.region"() ({
      %run_scoped3A = tpu.sem_alloc : memref<!tpu.dma_semaphore, #tpu.memory_space<semaphore_mem>>
      %dma_start3A_7 = arith.constant 0 : i32
      %dma_start3A_8 = tpu.memref_slice %arg2[%mul3A_2, %dma_start3A_7] : memref<2048x1024xf32, #tpu.memory_space<hbm>> -> memref<64x1024xf32, #tpu.memory_space<hbm>>
      %dma_start3A_9 = arith.constant 0 : i32
      %dma_start3A_10 = tpu.memref_slice %arg2[%mul3A_2, %dma_start3A_9] : memref<2048x1024xf32, #tpu.memory_space<hbm>> -> memref<64x1024xf32, #tpu.memory_space<hbm>>
      tpu.enqueue_dma source(%dma_start3A_10 : memref<64x1024xf32, #tpu.memory_space<hbm>>) target(%arg6 : memref<64x1024xf32, #tpu.memory_space<vmem>>) target_semaphore(%run_scoped3A : memref<!tpu.dma_semaphore, #tpu.memory_space<semaphore_mem>>)
      %dma_wait3A_11 = arith.constant 0 : i32
      %dma_wait3A_12 = tpu.memref_slice %arg2[%mul3A_2, %dma_wait3A_11] : memref<2048x1024xf32, #tpu.memory_space<hbm>> -> memref<64x1024xf32, #tpu.memory_space<hbm>>
      %dma_wait3A_13 = arith.constant 0 : i32
      %dma_wait3A_14 = tpu.memref_slice %arg2[%mul3A_2, %dma_wait3A_13] : memref<2048x1024xf32, #tpu.memory_space<hbm>> -> memref<64x1024xf32, #tpu.memory_space<hbm>>
      tpu.wait_dma2 semaphore(%run_scoped3A : memref<!tpu.dma_semaphore, #tpu.memory_space<semaphore_mem>>) src(%dma_wait3A_14 : memref<64x1024xf32, #tpu.memory_space<hbm>>) dst(%arg6 : memref<64x1024xf32, #tpu.memory_space<vmem>>)
      tpu.yield
    }) : () -> ()
    %dma_start3A = arith.constant 0 : i32
    %dma_start3A_3 = arith.constant 0 : i32
    %dma_start3A_4 = tpu.memref_slice %arg4[%dma_start3A, %dma_start3A_3] : memref<4096x1024xf32, #tpu.memory_space<hbm>> -> memref<4096x1024xf32, #tpu.memory_space<hbm>>
    tpu.enqueue_indirect_dma source(%arg6 : memref<64x1024xf32, #tpu.memory_space<vmem>>) target(%dma_start3A_4 : memref<4096x1024xf32, #tpu.memory_space<hbm>>) offsets(%arg5 : memref<64xi32, #tpu.memory_space<vmem>>) semaphore(%arg7 : memref<!tpu.dma_semaphore, #tpu.memory_space<semaphore_mem>>)
    %dma_wait3A = arith.constant 0 : i32
    %dma_wait3A_5 = arith.constant 0 : i32
    %dma_wait3A_6 = tpu.memref_slice %arg4[%dma_wait3A, %dma_wait3A_5] : memref<4096x1024xf32, #tpu.memory_space<hbm>> -> memref<4096x1024xf32, #tpu.memory_space<hbm>>
    tpu.wait_indirect_dma semaphore(%arg7 : memref<!tpu.dma_semaphore, #tpu.memory_space<semaphore_mem>>) src(%arg6 : memref<64x1024xf32, #tpu.memory_space<vmem>>) dst(%dma_wait3A_6 : memref<4096x1024xf32, #tpu.memory_space<hbm>>)
    return
  }
}

module attributes {stable_mosaic.version = 14 : i64} {
  func.func @_gmm_body(%arg0: i32, %arg1: memref<1x128xi32, #tpu.memory_space<smem>>, %arg2: memref<1x128xi32, #tpu.memory_space<smem>>, %arg3: memref<1x128xi32, #tpu.memory_space<smem>>, %arg4: memref<256x1024xf32, #tpu.memory_space<vmem>>, %arg5: memref<1x1024x1024xf32, #tpu.memory_space<vmem>>, %arg6: memref<1x1x1024xf32, #tpu.memory_space<vmem>>, %arg7: memref<256x1024xf32, #tpu.memory_space<vmem>>) attributes {dimension_semantics = [#tpu.dimension_semantics<arbitrary>], iteration_bounds = array<i64: 16>, scalar_prefetch = 3 : i64, scratch_operands = 0 : i64, tpu.core_type = #tpu.core_type<tc>, window_params = [{transform_indices = @transform_0, window_bounds = array<i64: 256, 1024>}, {transform_indices = @transform_1, window_bounds = array<i64: 1, 1024, 1024>}, {transform_indices = @transform_2, window_bounds = array<i64: 1, 1, 1024>}, {transform_indices = @transform_3, window_bounds = array<i64: 256, 1024>}]} {
    %get3A = arith.constant 0 : index
    %get3A_0 = arith.index_cast %arg0 : i32 to index
    %get3A_1 = memref.load %arg2[%get3A, %get3A_0] : memref<1x128xi32, #tpu.memory_space<smem>>
    %gt3A = arith.constant 0 : i32
    %gt3A_2 = arith.cmpi sgt, %get3A_1, %gt3A : i32
    %convert_element_type3A = arith.extui %gt3A_2 : i1 to i32
    %cond3A = arith.constant 0 : i32
    %cond3A_3 = arith.cmpi ne, %convert_element_type3A, %cond3A : i32
    scf.if %cond3A_3 {
      %get3A_4 = arith.constant 0 : index
      %get3A_5 = arith.constant 0 : index
      %get3A_6 = vector.load %arg4[%get3A_4, %get3A_5] : memref<256x1024xf32, #tpu.memory_space<vmem>>, vector<256x1024xf32>
      %get3A_7 = arith.constant 0 : index
      %get3A_8 = arith.constant 0 : index
      %get3A_9 = arith.constant 0 : index
      %get3A_10 = vector.load %arg5[%get3A_7, %get3A_8, %get3A_9] : memref<1x1024x1024xf32, #tpu.memory_space<vmem>>, vector<1x1024x1024xf32>
      %get3A_11 = vector.shape_cast %get3A_10 : vector<1x1024x1024xf32> to vector<1024x1024xf32>
      %dot_general3A = arith.constant dense<0.000000e+00> : vector<256x1024xf32>
      %dot_general3A_12 = tpu.matmul %get3A_6, %get3A_11, %dot_general3A {dimension_numbers = #tpu.dot_dimension_numbers<[1], [1], [0], [0], [0, 0, 1, 0], [], []>, transpose_lhs_hint = false} : vector<256x1024xf32>, vector<1024x1024xf32>, vector<256x1024xf32> -> vector<256x1024xf32>
      %get3A_13 = arith.constant 0 : index
      %get3A_14 = arith.constant 0 : index
      %get3A_15 = arith.constant 0 : index
      %get3A_16 = vector.load %arg6[%get3A_13, %get3A_14, %get3A_15] : memref<1x1x1024xf32, #tpu.memory_space<vmem>>, vector<1x1x1024xf32>
      %get3A_17 = vector.shape_cast %get3A_16 : vector<1x1x1024xf32> to vector<1x1024xf32>
      %add3A = vector.broadcast %get3A_17 : vector<1x1024xf32> to vector<256x1024xf32>
      %add3A_18 = arith.addf %dot_general3A_12, %add3A : vector<256x1024xf32>
      %max3A = arith.constant 0.000000e+00 : f32
      %max3A_19 = vector.broadcast %max3A : f32 to vector<256x1024xf32>
      %max3A_20 = arith.maximumf %add3A_18, %max3A_19 : vector<256x1024xf32>
      %add3A_21 = arith.addf %max3A_20, %get3A_6 : vector<256x1024xf32>
      %swap3A = arith.constant 0 : index
      %swap3A_22 = arith.constant 0 : index
      %swap3A_23 = vector.load %arg7[%swap3A, %swap3A_22] : memref<256x1024xf32, #tpu.memory_space<vmem>>, vector<256x1024xf32>
      tpu.vector_store %arg7[%swap3A, %swap3A_22], %add3A_21 {strides = array<i32>} : memref<256x1024xf32, #tpu.memory_space<vmem>>, vector<256x1024xf32>,
    } else {
    }
    return
  }
  func.func @transform_0(%arg0: i32, %arg1: memref<1x128xi32, #tpu.memory_space<smem>>, %arg2: memref<1x128xi32, #tpu.memory_space<smem>>, %arg3: memref<1x128xi32, #tpu.memory_space<smem>>) -> (i32, i32) {
    %get3A = arith.constant 0 : index
    %get3A_0 = arith.index_cast %arg0 : i32 to index
    %get3A_1 = memref.load %arg3[%get3A, %get3A_0] : memref<1x128xi32, #tpu.memory_space<smem>>
    %c0_i32 = arith.constant 0 : i32
    %c0_i32_2 = arith.constant 0 : i32
    return %get3A_1, %c0_i32 : i32, i32
  }
  func.func @transform_1(%arg0: i32, %arg1: memref<1x128xi32, #tpu.memory_space<smem>>, %arg2: memref<1x128xi32, #tpu.memory_space<smem>>, %arg3: memref<1x128xi32, #tpu.memory_space<smem>>) -> (i32, i32, i32) {
    %get3A = arith.constant 0 : index
    %get3A_0 = arith.index_cast %arg0 : i32 to index
    %get3A_1 = memref.load %arg1[%get3A, %get3A_0] : memref<1x128xi32, #tpu.memory_space<smem>>
    %c0_i32 = arith.constant 0 : i32
    %c0_i32_2 = arith.constant 0 : i32
    %c0_i32_3 = arith.constant 0 : i32
    return %get3A_1, %c0_i32, %c0_i32_2 : i32, i32, i32
  }
  func.func @transform_2(%arg0: i32, %arg1: memref<1x128xi32, #tpu.memory_space<smem>>, %arg2: memref<1x128xi32, #tpu.memory_space<smem>>, %arg3: memref<1x128xi32, #tpu.memory_space<smem>>) -> (i32, i32, i32) {
    %get3A = arith.constant 0 : index
    %get3A_0 = arith.index_cast %arg0 : i32 to index
    %get3A_1 = memref.load %arg1[%get3A, %get3A_0] : memref<1x128xi32, #tpu.memory_space<smem>>
    %c0_i32 = arith.constant 0 : i32
    %c0_i32_2 = arith.constant 0 : i32
    %c0_i32_3 = arith.constant 0 : i32
    return %get3A_1, %c0_i32, %c0_i32_2 : i32, i32, i32
  }
  func.func @transform_3(%arg0: i32, %arg1: memref<1x128xi32, #tpu.memory_space<smem>>, %arg2: memref<1x128xi32, #tpu.memory_space<smem>>, %arg3: memref<1x128xi32, #tpu.memory_space<smem>>) -> (i32, i32) {
    %get3A = arith.constant 0 : index
    %get3A_0 = arith.index_cast %arg0 : i32 to index
    %get3A_1 = memref.load %arg3[%get3A, %get3A_0] : memref<1x128xi32, #tpu.memory_space<smem>>
    %c0_i32 = arith.constant 0 : i32
    %c0_i32_2 = arith.constant 0 : i32
    return %get3A_1, %c0_i32 : i32, i32
  }
}

module attributes {stable_mosaic.version = 14 : i64} {
  func.func @_route_body(%arg0: i32, %arg1: memref<8x1024xf32, #tpu.memory_space<vmem>>, %arg2: memref<512x1024xf32, #tpu.memory_space<vmem>>, %arg3: memref<1x4x128xi32, #tpu.memory_space<vmem>>, %arg4: memref<16x128xi32, #tpu.memory_space<vmem>>, %arg5: memref<1x128xi32, #tpu.memory_space<vmem>>, %arg6: memref<1x128xi32, #tpu.memory_space<vmem>>, %arg7: memref<1x128xi32, #tpu.memory_space<vmem>>, %arg8: memref<4x4x128xi32, #tpu.memory_space<vmem>>, %arg9: memref<4x4x128xi32, #tpu.memory_space<vmem>>, %arg10: memref<1x128xf32, #tpu.memory_space<vmem>>) attributes {dimension_semantics = [#tpu.dimension_semantics<arbitrary>], iteration_bounds = array<i64: 5>, scalar_prefetch = 0 : i64, scratch_operands = 3 : i64, tpu.core_type = #tpu.core_type<tc>, window_params = [{pipeline_mode = #tpu.pipeline_mode<synchronous>, transform_indices = @transform_0, window_bounds = array<i64: 8, 1024>}, {transform_indices = @transform_1, window_bounds = array<i64: 512, 1024>}, {transform_indices = @transform_2, window_bounds = array<i64: 1, 4, 128>}, {pipeline_mode = #tpu.pipeline_mode<synchronous>, transform_indices = @transform_3, window_bounds = array<i64: 16, 128>}, {pipeline_mode = #tpu.pipeline_mode<synchronous>, transform_indices = @transform_4, window_bounds = array<i64: 1, 128>}, {pipeline_mode = #tpu.pipeline_mode<synchronous>, transform_indices = @transform_5, window_bounds = array<i64: 1, 128>}, {pipeline_mode = #tpu.pipeline_mode<synchronous>, transform_indices = @transform_6, window_bounds = array<i64: 1, 128>}]} {
    %eq3A = arith.constant 0 : i32
    %eq3A_0 = arith.cmpi eq, %arg0, %eq3A : i32
    %convert_element_type3A = arith.extui %eq3A_0 : i1 to i32
    %cond3A = arith.constant 0 : i32
    %cond3A_1 = arith.cmpi ne, %convert_element_type3A, %cond3A : i32
    scf.if %cond3A_1 {
      %broadcast_in_dim3A = arith.constant 0.000000e+00 : f32
      %broadcast_in_dim3A_11 = vector.broadcast %broadcast_in_dim3A : f32 to vector<1x128xf32>
      %swap3A = arith.constant 0 : index
      %swap3A_12 = arith.constant 0 : index
      %swap3A_13 = vector.load %arg10[%swap3A, %swap3A_12] : memref<1x128xf32, #tpu.memory_space<vmem>>, vector<1x128xf32>
      tpu.vector_store %arg10[%swap3A, %swap3A_12], %broadcast_in_dim3A_11 {strides = array<i32>} : memref<1x128xf32, #tpu.memory_space<vmem>>, vector<1x128xf32>,
    } else {
    }
    %lt3A = arith.constant 4 : i32
    %lt3A_2 = arith.cmpi slt, %arg0, %lt3A : i32
    %convert_element_type3A_3 = arith.extui %lt3A_2 : i1 to i32
    %cond3A_4 = arith.constant 0 : i32
    %cond3A_5 = arith.cmpi ne, %convert_element_type3A_3, %cond3A_4 : i32
    scf.if %cond3A_5 {
      %get3A = arith.constant 0 : index
      %get3A_11 = arith.constant 0 : index
      %get3A_12 = vector.load %arg1[%get3A, %get3A_11] : memref<8x1024xf32, #tpu.memory_space<vmem>>, vector<8x1024xf32>
      %gt3A = arith.constant 3.000000e-01 : f32
      %gt3A_13 = vector.broadcast %gt3A : f32 to vector<8x1024xf32>
      %gt3A_14 = arith.cmpf ogt, %get3A_12, %gt3A_13 : vector<8x1024xf32>
      %lt3A_15 = arith.constant -3.000000e-01 : f32
      %lt3A_16 = vector.broadcast %lt3A_15 : f32 to vector<8x1024xf32>
      %lt3A_17 = arith.cmpf olt, %get3A_12, %lt3A_16 : vector<8x1024xf32>
      %jit3A = arith.constant -1.000000e+00 : f32
      %jit3A_18 = arith.constant 0.000000e+00 : f32
      %broadcast_in_dim3A = vector.broadcast %jit3A : f32 to vector<8x1024xf32>
      %broadcast_in_dim3A_19 = vector.broadcast %jit3A_18 : f32 to vector<8x1024xf32>
      %select_n3A = arith.select %lt3A_17, %broadcast_in_dim3A, %broadcast_in_dim3A_19 : vector<8x1024xi1>, vector<8x1024xf32>
      %jit3A_20 = arith.constant 1.000000e+00 : f32
      %broadcast_in_dim3A_21 = vector.broadcast %jit3A_20 : f32 to vector<8x1024xf32>
      %select_n3A_22 = arith.select %gt3A_14, %broadcast_in_dim3A_21, %select_n3A : vector<8x1024xi1>, vector<8x1024xf32>
      %get3A_23 = arith.constant 0 : index
      %get3A_24 = arith.constant 0 : index
      %get3A_25 = vector.load %arg2[%get3A_23, %get3A_24] : memref<512x1024xf32, #tpu.memory_space<vmem>>, vector<512x1024xf32>
      %dot_general3A = arith.constant dense<0.000000e+00> : vector<512x8xf32>
      %dot_general3A_26 = tpu.matmul %get3A_25, %select_n3A_22, %dot_general3A {dimension_numbers = #tpu.dot_dimension_numbers<[1], [1], [0], [0], [0, 0, 1, 0], [], []>, transpose_lhs_hint = false} : vector<512x1024xf32>, vector<8x1024xf32>, vector<512x8xf32> -> vector<512x8xf32>
      %iota3A = tpu.iota {dimensions = array<i32: 1>} : vector<512x8xi32>
      %reduce_max3A = arith.constant dense<0xFF800000> : vector<512xf32>
      %reduce_max3A_27 = vector.multi_reduction <maximumf>, %dot_general3A_26, %reduce_max3A [1] : vector<512x8xf32> to vector<512xf32>
      %broadcast_in_dim3A_28 = vector.shape_cast %reduce_max3A_27 : vector<512xf32> to vector<512x1xf32>
      %eq3A_29 = vector.broadcast %broadcast_in_dim3A_28 : vector<512x1xf32> to vector<512x8xf32>
      %eq3A_30 = arith.cmpf oeq, %dot_general3A_26, %eq3A_29 : vector<512x8xf32>
      %jit3A_31 = arith.constant 8 : i32
      %broadcast_in_dim3A_32 = vector.broadcast %jit3A_31 : i32 to vector<512x8xi32>
      %select_n3A_33 = arith.select %eq3A_30, %iota3A, %broadcast_in_dim3A_32 : vector<512x8xi1>, vector<512x8xi32>
      %reduce_min3A = arith.constant dense<2147483647> : vector<512xi32>
      %reduce_min3A_34 = vector.multi_reduction <minsi>, %select_n3A_33, %reduce_min3A [1] : vector<512x8xi32> to vector<512xi32>
      %broadcast_in_dim3A_35 = vector.shape_cast %reduce_min3A_34 : vector<512xi32> to vector<512x1xi32>
      %reshape3A = vector.shape_cast %broadcast_in_dim3A_35 : vector<512x1xi32> to vector<4x128xi32>
      %swap3A = arith.constant 0 : index
      %swap3A_36 = arith.constant 0 : index
      %swap3A_37 = arith.constant 0 : index
      %swap3A_38 = vector.load %arg3[%swap3A, %swap3A_36, %swap3A_37] : memref<1x4x128xi32, #tpu.memory_space<vmem>>, vector<1x4x128xi32>
      %swap3A_39 = vector.shape_cast %swap3A_38 : vector<1x4x128xi32> to vector<4x128xi32>
      %swap3A_40 = vector.shape_cast %reshape3A : vector<4x128xi32> to vector<1x4x128xi32>
      tpu.vector_store %arg3[%swap3A, %swap3A_36, %swap3A_37], %swap3A_40 {strides = array<i32>} : memref<1x4x128xi32, #tpu.memory_space<vmem>>, vector<1x4x128xi32>,
      %iota3A_41 = tpu.iota {dimensions = array<i32: 1>} : vector<512x128xi32>
      %eq3A_42 = vector.broadcast %broadcast_in_dim3A_35 : vector<512x1xi32> to vector<512x128xi32>
      %eq3A_43 = arith.cmpi eq, %iota3A_41, %eq3A_42 : vector<512x128xi32>
      %convert_element_type3A_44 = arith.extui %eq3A_43 : vector<512x128xi1> to vector<512x128xi32>
      %convert_element_type3A_45 = arith.sitofp %convert_element_type3A_44 : vector<512x128xi32> to vector<512x128xf32>
      %convert_element_type3A_46 = arith.truncf %convert_element_type3A_45 : vector<512x128xf32> to vector<512x128xbf16>
      %iota3A_47 = tpu.iota {dimensions = array<i32: 0>} : vector<512x512xi32>
      %iota3A_48 = tpu.iota {dimensions = array<i32: 1>} : vector<512x512xi32>
      %lt3A_49 = arith.cmpi slt, %iota3A_48, %iota3A_47 : vector<512x512xi32>
      %convert_element_type3A_50 = arith.extui %lt3A_49 : vector<512x512xi1> to vector<512x512xi32>
      %convert_element_type3A_51 = arith.sitofp %convert_element_type3A_50 : vector<512x512xi32> to vector<512x512xf32>
      %convert_element_type3A_52 = arith.truncf %convert_element_type3A_51 : vector<512x512xf32> to vector<512x512xbf16>
      %dot_general3A_53 = arith.constant dense<0.000000e+00> : vector<512x128xf32>
      %dot_general3A_54 = tpu.matmul %convert_element_type3A_52, %convert_element_type3A_46, %dot_general3A_53 {dimension_numbers = #tpu.dot_dimension_numbers<[1], [0], [0], [1], [0, 0, 1, 1], [], []>, transpose_lhs_hint = false} : vector<512x512xbf16>, vector<512x128xbf16>, vector<512x128xf32> -> vector<512x128xf32>
      %get3A_55 = arith.constant 0 : index
      %get3A_56 = arith.constant 0 : index
      %get3A_57 = vector.load %arg10[%get3A_55, %get3A_56] : memref<1x128xf32, #tpu.memory_space<vmem>>, vector<1x128xf32>
      %add3A = vector.broadcast %get3A_57 : vector<1x128xf32> to vector<512x128xf32>
      %add3A_58 = arith.addf %dot_general3A_54, %add3A : vector<512x128xf32>
      %convert_element_type3A_59 = arith.extf %convert_element_type3A_46 : vector<512x128xbf16> to vector<512x128xf32>
      %mul3A = arith.mulf %add3A_58, %convert_element_type3A_59 : vector<512x128xf32>
      %reduce_sum3A = arith.constant dense<0.000000e+00> : vector<512xf32>
      %reduce_sum3A_60 = vector.multi_reduction <add>, %mul3A, %reduce_sum3A [1] : vector<512x128xf32> to vector<512xf32>
      %broadcast_in_dim3A_61 = vector.shape_cast %reduce_sum3A_60 : vector<512xf32> to vector<512x1xf32>
      %reshape3A_62 = vector.shape_cast %broadcast_in_dim3A_35 : vector<512x1xi32> to vector<4x128xi32>
      %swap3A_63 = arith.index_cast %arg0 : i32 to index
      %swap3A_64 = arith.constant 0 : index
      %swap3A_65 = arith.constant 0 : index
      %swap3A_66 = vector.load %arg8[%swap3A_63, %swap3A_64, %swap3A_65] : memref<4x4x128xi32, #tpu.memory_space<vmem>>, vector<1x4x128xi32>
      %swap3A_67 = vector.shape_cast %swap3A_66 : vector<1x4x128xi32> to vector<4x128xi32>
      %swap3A_68 = vector.shape_cast %reshape3A_62 : vector<4x128xi32> to vector<1x4x128xi32>
      tpu.vector_store %arg8[%swap3A_63, %swap3A_64, %swap3A_65], %swap3A_68 {strides = array<i32>} : memref<4x4x128xi32, #tpu.memory_space<vmem>>, vector<1x4x128xi32>,
      %convert_element_type3A_69 = arith.fptosi %broadcast_in_dim3A_61 : vector<512x1xf32> to vector<512x1xi32>
      %reshape3A_70 = vector.shape_cast %convert_element_type3A_69 : vector<512x1xi32> to vector<4x128xi32>
      %swap3A_71 = arith.index_cast %arg0 : i32 to index
      %swap3A_72 = arith.constant 0 : index
      %swap3A_73 = arith.constant 0 : index
      %swap3A_74 = vector.load %arg9[%swap3A_71, %swap3A_72, %swap3A_73] : memref<4x4x128xi32, #tpu.memory_space<vmem>>, vector<1x4x128xi32>
      %swap3A_75 = vector.shape_cast %swap3A_74 : vector<1x4x128xi32> to vector<4x128xi32>
      %swap3A_76 = vector.shape_cast %reshape3A_70 : vector<4x128xi32> to vector<1x4x128xi32>
      tpu.vector_store %arg9[%swap3A_71, %swap3A_72, %swap3A_73], %swap3A_76 {strides = array<i32>} : memref<4x4x128xi32, #tpu.memory_space<vmem>>, vector<1x4x128xi32>,
      %get3A_77 = arith.constant 0 : index
      %get3A_78 = arith.constant 0 : index
      %get3A_79 = vector.load %arg10[%get3A_77, %get3A_78] : memref<1x128xf32, #tpu.memory_space<vmem>>, vector<1x128xf32>
      %convert_element_type3A_80 = arith.extf %convert_element_type3A_46 : vector<512x128xbf16> to vector<512x128xf32>
      %reduce_sum3A_81 = arith.constant dense<0.000000e+00> : vector<128xf32>
      %reduce_sum3A_82 = vector.multi_reduction <add>, %convert_element_type3A_80, %reduce_sum3A_81 [0] : vector<512x128xf32> to vector<128xf32>
      %broadcast_in_dim3A_83 = vector.shape_cast %reduce_sum3A_82 : vector<128xf32> to vector<1x128xf32>
      %add3A_84 = arith.addf %get3A_79, %broadcast_in_dim3A_83 : vector<1x128xf32>
      %swap3A_85 = arith.constant 0 : index
      %swap3A_86 = arith.constant 0 : index
      %swap3A_87 = vector.load %arg10[%swap3A_85, %swap3A_86] : memref<1x128xf32, #tpu.memory_space<vmem>>, vector<1x128xf32>
      tpu.vector_store %arg10[%swap3A_85, %swap3A_86], %add3A_84 {strides = array<i32>} : memref<1x128xf32, #tpu.memory_space<vmem>>, vector<1x128xf32>,
    } else {
    }
    %eq3A_6 = arith.constant 4 : i32
    %eq3A_7 = arith.cmpi eq, %arg0, %eq3A_6 : i32
    %convert_element_type3A_8 = arith.extui %eq3A_7 : i1 to i32
    %cond3A_9 = arith.constant 0 : i32
    %cond3A_10 = arith.cmpi ne, %convert_element_type3A_8, %cond3A_9 : i32
    scf.if %cond3A_10 {
      %get3A = arith.constant 0 : index
      %get3A_11 = arith.constant 0 : index
      %get3A_12 = vector.load %arg10[%get3A, %get3A_11] : memref<1x128xf32, #tpu.memory_space<vmem>>, vector<1x128xf32>
      %mul3A = arith.constant 3.906250e-03 : f32
      %mul3A_13 = vector.broadcast %mul3A : f32 to vector<1x128xf32>
      %mul3A_14 = arith.mulf %get3A_12, %mul3A_13 : vector<1x128xf32>
      %ceil3A = math.ceil %mul3A_14 : vector<1x128xf32>
      %mul3A_15 = arith.constant 2.560000e+02 : f32
      %mul3A_16 = vector.broadcast %mul3A_15 : f32 to vector<1x128xf32>
      %mul3A_17 = arith.mulf %ceil3A, %mul3A_16 : vector<1x128xf32>
      %iota3A = tpu.iota {dimensions = array<i32: 0>} : vector<128x128xi32>
      %iota3A_18 = tpu.iota {dimensions = array<i32: 1>} : vector<128x128xi32>
      %lt3A_19 = arith.cmpi slt, %iota3A, %iota3A_18 : vector<128x128xi32>
      %convert_element_type3A_20 = arith.extui %lt3A_19 : vector<128x128xi1> to vector<128x128xi32>
      %convert_element_type3A_21 = arith.sitofp %convert_element_type3A_20 : vector<128x128xi32> to vector<128x128xf32>
      %dot_general3A = arith.constant dense<0.000000e+00> : vector<1x128xf32>
      %dot_general3A_22 = tpu.matmul %mul3A_17, %convert_element_type3A_21, %dot_general3A {dimension_numbers = #tpu.dot_dimension_numbers<[1], [0], [0], [1], [0, 0, 1, 1], [], []>, transpose_lhs_hint = false} : vector<1x128xf32>, vector<128x128xf32>, vector<1x128xf32> -> vector<1x128xf32>
      %get3A_23 = arith.constant 0 : index
      %get3A_24 = arith.constant 0 : index
      %get3A_25 = arith.constant 0 : index
      %get3A_26 = vector.load %arg8[%get3A_23, %get3A_24, %get3A_25] : memref<4x4x128xi32, #tpu.memory_space<vmem>>, vector<4x4x128xi32>
      %reshape3A = vector.shape_cast %get3A_26 : vector<4x4x128xi32> to vector<16x128xi32>
      %get3A_27 = arith.constant 0 : index
      %get3A_28 = arith.constant 0 : index
      %get3A_29 = arith.constant 0 : index
      %get3A_30 = vector.load %arg9[%get3A_27, %get3A_28, %get3A_29] : memref<4x4x128xi32, #tpu.memory_space<vmem>>, vector<4x4x128xi32>
      %reshape3A_31 = vector.shape_cast %get3A_30 : vector<4x4x128xi32> to vector<16x128xi32>
      %broadcast_in_dim3A = arith.constant 0 : i32
      %broadcast_in_dim3A_32 = vector.broadcast %broadcast_in_dim3A : i32 to vector<16x128xi32>
      %slice3A = vector.extract_strided_slice %dot_general3A_22 {offsets = [0, 0], sizes = [1, 1], strides = [1, 1]} : vector<1x128xf32> to vector<1x1xf32>
      %convert_element_type3A_33 = arith.fptosi %slice3A : vector<1x1xf32> to vector<1x1xi32>
      %eq3A_34 = arith.constant 0 : i32
      %eq3A_35 = vector.broadcast %eq3A_34 : i32 to vector<16x128xi32>
      %eq3A_36 = arith.cmpi eq, %reshape3A, %eq3A_35 : vector<16x128xi32>
      %broadcast_in_dim3A_37 = vector.shape_cast %convert_element_type3A_33 : vector<1x1xi32> to vector<1x1xi32>
      %broadcast_in_dim3A_38 = vector.broadcast %broadcast_in_dim3A_37 : vector<1x1xi32> to vector<16x128xi32>
      %select_n3A = arith.select %eq3A_36, %broadcast_in_dim3A_38, %broadcast_in_dim3A_32 : vector<16x128xi1>, vector<16x128xi32>
      %slice3A_39 = vector.extract_strided_slice %dot_general3A_22 {offsets = [0, 1], sizes = [1, 1], strides = [1, 1]} : vector<1x128xf32> to vector<1x1xf32>
      %convert_element_type3A_40 = arith.fptosi %slice3A_39 : vector<1x1xf32> to vector<1x1xi32>
      %eq3A_41 = arith.constant 1 : i32
      %eq3A_42 = vector.broadcast %eq3A_41 : i32 to vector<16x128xi32>
      %eq3A_43 = arith.cmpi eq, %reshape3A, %eq3A_42 : vector<16x128xi32>
      %broadcast_in_dim3A_44 = vector.shape_cast %convert_element_type3A_40 : vector<1x1xi32> to vector<1x1xi32>
      %broadcast_in_dim3A_45 = vector.broadcast %broadcast_in_dim3A_44 : vector<1x1xi32> to vector<16x128xi32>
      %select_n3A_46 = arith.select %eq3A_43, %broadcast_in_dim3A_45, %select_n3A : vector<16x128xi1>, vector<16x128xi32>
      %slice3A_47 = vector.extract_strided_slice %dot_general3A_22 {offsets = [0, 2], sizes = [1, 1], strides = [1, 1]} : vector<1x128xf32> to vector<1x1xf32>
      %convert_element_type3A_48 = arith.fptosi %slice3A_47 : vector<1x1xf32> to vector<1x1xi32>
      %eq3A_49 = arith.constant 2 : i32
      %eq3A_50 = vector.broadcast %eq3A_49 : i32 to vector<16x128xi32>
      %eq3A_51 = arith.cmpi eq, %reshape3A, %eq3A_50 : vector<16x128xi32>
      %broadcast_in_dim3A_52 = vector.shape_cast %convert_element_type3A_48 : vector<1x1xi32> to vector<1x1xi32>
      %broadcast_in_dim3A_53 = vector.broadcast %broadcast_in_dim3A_52 : vector<1x1xi32> to vector<16x128xi32>
      %select_n3A_54 = arith.select %eq3A_51, %broadcast_in_dim3A_53, %select_n3A_46 : vector<16x128xi1>, vector<16x128xi32>
      %slice3A_55 = vector.extract_strided_slice %dot_general3A_22 {offsets = [0, 3], sizes = [1, 1], strides = [1, 1]} : vector<1x128xf32> to vector<1x1xf32>
      %convert_element_type3A_56 = arith.fptosi %slice3A_55 : vector<1x1xf32> to vector<1x1xi32>
      %eq3A_57 = arith.constant 3 : i32
      %eq3A_58 = vector.broadcast %eq3A_57 : i32 to vector<16x128xi32>
      %eq3A_59 = arith.cmpi eq, %reshape3A, %eq3A_58 : vector<16x128xi32>
      %broadcast_in_dim3A_60 = vector.shape_cast %convert_element_type3A_56 : vector<1x1xi32> to vector<1x1xi32>
      %broadcast_in_dim3A_61 = vector.broadcast %broadcast_in_dim3A_60 : vector<1x1xi32> to vector<16x128xi32>
      %select_n3A_62 = arith.select %eq3A_59, %broadcast_in_dim3A_61, %select_n3A_54 : vector<16x128xi1>, vector<16x128xi32>
      %slice3A_63 = vector.extract_strided_slice %dot_general3A_22 {offsets = [0, 4], sizes = [1, 1], strides = [1, 1]} : vector<1x128xf32> to vector<1x1xf32>
      %convert_element_type3A_64 = arith.fptosi %slice3A_63 : vector<1x1xf32> to vector<1x1xi32>
      %eq3A_65 = arith.constant 4 : i32
      %eq3A_66 = vector.broadcast %eq3A_65 : i32 to vector<16x128xi32>
      %eq3A_67 = arith.cmpi eq, %reshape3A, %eq3A_66 : vector<16x128xi32>
      %broadcast_in_dim3A_68 = vector.shape_cast %convert_element_type3A_64 : vector<1x1xi32> to vector<1x1xi32>
      %broadcast_in_dim3A_69 = vector.broadcast %broadcast_in_dim3A_68 : vector<1x1xi32> to vector<16x128xi32>
      %select_n3A_70 = arith.select %eq3A_67, %broadcast_in_dim3A_69, %select_n3A_62 : vector<16x128xi1>, vector<16x128xi32>
      %slice3A_71 = vector.extract_strided_slice %dot_general3A_22 {offsets = [0, 5], sizes = [1, 1], strides = [1, 1]} : vector<1x128xf32> to vector<1x1xf32>
      %convert_element_type3A_72 = arith.fptosi %slice3A_71 : vector<1x1xf32> to vector<1x1xi32>
      %eq3A_73 = arith.constant 5 : i32
      %eq3A_74 = vector.broadcast %eq3A_73 : i32 to vector<16x128xi32>
      %eq3A_75 = arith.cmpi eq, %reshape3A, %eq3A_74 : vector<16x128xi32>
      %broadcast_in_dim3A_76 = vector.shape_cast %convert_element_type3A_72 : vector<1x1xi32> to vector<1x1xi32>
      %broadcast_in_dim3A_77 = vector.broadcast %broadcast_in_dim3A_76 : vector<1x1xi32> to vector<16x128xi32>
      %select_n3A_78 = arith.select %eq3A_75, %broadcast_in_dim3A_77, %select_n3A_70 : vector<16x128xi1>, vector<16x128xi32>
      %slice3A_79 = vector.extract_strided_slice %dot_general3A_22 {offsets = [0, 6], sizes = [1, 1], strides = [1, 1]} : vector<1x128xf32> to vector<1x1xf32>
      %convert_element_type3A_80 = arith.fptosi %slice3A_79 : vector<1x1xf32> to vector<1x1xi32>
      %eq3A_81 = arith.constant 6 : i32
      %eq3A_82 = vector.broadcast %eq3A_81 : i32 to vector<16x128xi32>
      %eq3A_83 = arith.cmpi eq, %reshape3A, %eq3A_82 : vector<16x128xi32>
      %broadcast_in_dim3A_84 = vector.shape_cast %convert_element_type3A_80 : vector<1x1xi32> to vector<1x1xi32>
      %broadcast_in_dim3A_85 = vector.broadcast %broadcast_in_dim3A_84 : vector<1x1xi32> to vector<16x128xi32>
      %select_n3A_86 = arith.select %eq3A_83, %broadcast_in_dim3A_85, %select_n3A_78 : vector<16x128xi1>, vector<16x128xi32>
      %slice3A_87 = vector.extract_strided_slice %dot_general3A_22 {offsets = [0, 7], sizes = [1, 1], strides = [1, 1]} : vector<1x128xf32> to vector<1x1xf32>
      %convert_element_type3A_88 = arith.fptosi %slice3A_87 : vector<1x1xf32> to vector<1x1xi32>
      %eq3A_89 = arith.constant 7 : i32
      %eq3A_90 = vector.broadcast %eq3A_89 : i32 to vector<16x128xi32>
      %eq3A_91 = arith.cmpi eq, %reshape3A, %eq3A_90 : vector<16x128xi32>
      %broadcast_in_dim3A_92 = vector.shape_cast %convert_element_type3A_88 : vector<1x1xi32> to vector<1x1xi32>
      %broadcast_in_dim3A_93 = vector.broadcast %broadcast_in_dim3A_92 : vector<1x1xi32> to vector<16x128xi32>
      %select_n3A_94 = arith.select %eq3A_91, %broadcast_in_dim3A_93, %select_n3A_86 : vector<16x128xi1>, vector<16x128xi32>
      %add3A = arith.addi %select_n3A_94, %reshape3A_31 : vector<16x128xi32>
      %swap3A = arith.constant 0 : index
      %swap3A_95 = arith.constant 0 : index
      %swap3A_96 = vector.load %arg4[%swap3A, %swap3A_95] : memref<16x128xi32, #tpu.memory_space<vmem>>, vector<16x128xi32>
      tpu.vector_store %arg4[%swap3A, %swap3A_95], %add3A {strides = array<i32>} : memref<16x128xi32, #tpu.memory_space<vmem>>, vector<16x128xi32>,
      %jit3A = arith.constant 256 : i32
      %div3A = vector.broadcast %jit3A : i32 to vector<16x128xi32>
      %div3A_97 = arith.divsi %add3A, %div3A : vector<16x128xi32>
      %sign3A = arith.constant 0 : i32
      %sign3A_98 = vector.broadcast %sign3A : i32 to vector<16x128xi32>
      %sign3A_99 = arith.cmpi sgt, %add3A, %sign3A_98 : vector<16x128xi32>
      %sign3A_100 = arith.extui %sign3A_99 : vector<16x128xi1> to vector<16x128xi32>
      %sign3A_101 = arith.constant 0 : i32
      %sign3A_102 = vector.broadcast %sign3A_101 : i32 to vector<16x128xi32>
      %sign3A_103 = arith.cmpi slt, %add3A, %sign3A_102 : vector<16x128xi32>
      %sign3A_104 = arith.extui %sign3A_103 : vector<16x128xi1> to vector<16x128xi32>
      %sign3A_105 = arith.subi %sign3A_100, %sign3A_104 : vector<16x128xi32>
      %sign3A_106 = arith.constant 0 : i32
      %sign3A_107 = arith.cmpi sgt, %jit3A, %sign3A_106 : i32
      %sign3A_108 = arith.extui %sign3A_107 : i1 to i32
      %sign3A_109 = arith.constant 0 : i32
      %sign3A_110 = arith.cmpi slt, %jit3A, %sign3A_109 : i32
      %sign3A_111 = arith.extui %sign3A_110 : i1 to i32
      %sign3A_112 = arith.subi %sign3A_108, %sign3A_111 : i32
      %ne3A = vector.broadcast %sign3A_112 : i32 to vector<16x128xi32>
      %ne3A_113 = arith.cmpi ne, %sign3A_105, %ne3A : vector<16x128xi32>
      %rem3A = vector.broadcast %jit3A : i32 to vector<16x128xi32>
      %rem3A_114 = arith.remsi %add3A, %rem3A : vector<16x128xi32>
      %ne3A_115 = arith.constant 0 : i32
      %ne3A_116 = vector.broadcast %ne3A_115 : i32 to vector<16x128xi32>
      %ne3A_117 = arith.cmpi ne, %rem3A_114, %ne3A_116 : vector<16x128xi32>
      %and3A = arith.andi %ne3A_113, %ne3A_117 : vector<16x128xi1>
      %sub3A = arith.constant 1 : i32
      %sub3A_118 = vector.broadcast %sub3A : i32 to vector<16x128xi32>
      %sub3A_119 = arith.subi %div3A_97, %sub3A_118 : vector<16x128xi32>
      %select_n3A_120 = arith.select %and3A, %sub3A_119, %div3A_97 : vector<16x128xi1>, vector<16x128xi32>
      %eq3A_121 = arith.constant 0 : i32
      %eq3A_122 = vector.broadcast %eq3A_121 : i32 to vector<16x128xi32>
      %eq3A_123 = arith.cmpi eq, %select_n3A_120, %eq3A_122 : vector<16x128xi32>
      %add3A_124 = arith.constant 1 : i32
      %add3A_125 = vector.broadcast %add3A_124 : i32 to vector<16x128xi32>
      %add3A_126 = arith.addi %reshape3A, %add3A_125 : vector<16x128xi32>
      %jit3A_127 = arith.constant 0 : i32
      %broadcast_in_dim3A_128 = vector.broadcast %jit3A_127 : i32 to vector<16x128xi32>
      %select_n3A_129 = arith.select %eq3A_123, %add3A_126, %broadcast_in_dim3A_128 : vector<16x128xi1>, vector<16x128xi32>
      %reduce_max3A = vector.shape_cast %select_n3A_129 : vector<16x128xi32> to vector<1x16x128xi32>
      %reduce_max3A_130 = arith.constant dense<-2147483648> : vector<1xi32>
      %reduce_max3A_131 = vector.multi_reduction <maxsi>, %reduce_max3A, %reduce_max3A_130 [1, 2] : vector<1x16x128xi32> to vector<1xi32>
      %reduce_max3A_132 = vector.shape_cast %reduce_max3A_131 : vector<1xi32> to vector<1x1x1xi32>
      %reduce_max3A_133 = vector.extract %reduce_max3A_132[0, 0, 0] : i32 from vector<1x1x1xi32>
      %eq3A_134 = arith.constant 1 : i32
      %eq3A_135 = vector.broadcast %eq3A_134 : i32 to vector<16x128xi32>
      %eq3A_136 = arith.cmpi eq, %select_n3A_120, %eq3A_135 : vector<16x128xi32>
      %add3A_137 = arith.constant 1 : i32
      %add3A_138 = vector.broadcast %add3A_137 : i32 to vector<16x128xi32>
      %add3A_139 = arith.addi %reshape3A, %add3A_138 : vector<16x128xi32>
      %jit3A_140 = arith.constant 0 : i32
      %broadcast_in_dim3A_141 = vector.broadcast %jit3A_140 : i32 to vector<16x128xi32>
      %select_n3A_142 = arith.select %eq3A_136, %add3A_139, %broadcast_in_dim3A_141 : vector<16x128xi1>, vector<16x128xi32>
      %reduce_max3A_143 = vector.shape_cast %select_n3A_142 : vector<16x128xi32> to vector<1x16x128xi32>
      %reduce_max3A_144 = arith.constant dense<-2147483648> : vector<1xi32>
      %reduce_max3A_145 = vector.multi_reduction <maxsi>, %reduce_max3A_143, %reduce_max3A_144 [1, 2] : vector<1x16x128xi32> to vector<1xi32>
      %reduce_max3A_146 = vector.shape_cast %reduce_max3A_145 : vector<1xi32> to vector<1x1x1xi32>
      %reduce_max3A_147 = vector.extract %reduce_max3A_146[0, 0, 0] : i32 from vector<1x1x1xi32>
      %eq3A_148 = arith.constant 2 : i32
      %eq3A_149 = vector.broadcast %eq3A_148 : i32 to vector<16x128xi32>
      %eq3A_150 = arith.cmpi eq, %select_n3A_120, %eq3A_149 : vector<16x128xi32>
      %add3A_151 = arith.constant 1 : i32
      %add3A_152 = vector.broadcast %add3A_151 : i32 to vector<16x128xi32>
      %add3A_153 = arith.addi %reshape3A, %add3A_152 : vector<16x128xi32>
      %jit3A_154 = arith.constant 0 : i32
      %broadcast_in_dim3A_155 = vector.broadcast %jit3A_154 : i32 to vector<16x128xi32>
      %select_n3A_156 = arith.select %eq3A_150, %add3A_153, %broadcast_in_dim3A_155 : vector<16x128xi1>, vector<16x128xi32>
      %reduce_max3A_157 = vector.shape_cast %select_n3A_156 : vector<16x128xi32> to vector<1x16x128xi32>
      %reduce_max3A_158 = arith.constant dense<-2147483648> : vector<1xi32>
      %reduce_max3A_159 = vector.multi_reduction <maxsi>, %reduce_max3A_157, %reduce_max3A_158 [1, 2] : vector<1x16x128xi32> to vector<1xi32>
      %reduce_max3A_160 = vector.shape_cast %reduce_max3A_159 : vector<1xi32> to vector<1x1x1xi32>
      %reduce_max3A_161 = vector.extract %reduce_max3A_160[0, 0, 0] : i32 from vector<1x1x1xi32>
      %eq3A_162 = arith.constant 3 : i32
      %eq3A_163 = vector.broadcast %eq3A_162 : i32 to vector<16x128xi32>
      %eq3A_164 = arith.cmpi eq, %select_n3A_120, %eq3A_163 : vector<16x128xi32>
      %add3A_165 = arith.constant 1 : i32
      %add3A_166 = vector.broadcast %add3A_165 : i32 to vector<16x128xi32>
      %add3A_167 = arith.addi %reshape3A, %add3A_166 : vector<16x128xi32>
      %jit3A_168 = arith.constant 0 : i32
      %broadcast_in_dim3A_169 = vector.broadcast %jit3A_168 : i32 to vector<16x128xi32>
      %select_n3A_170 = arith.select %eq3A_164, %add3A_167, %broadcast_in_dim3A_169 : vector<16x128xi1>, vector<16x128xi32>
      %reduce_max3A_171 = vector.shape_cast %select_n3A_170 : vector<16x128xi32> to vector<1x16x128xi32>
      %reduce_max3A_172 = arith.constant dense<-2147483648> : vector<1xi32>
      %reduce_max3A_173 = vector.multi_reduction <maxsi>, %reduce_max3A_171, %reduce_max3A_172 [1, 2] : vector<1x16x128xi32> to vector<1xi32>
      %reduce_max3A_174 = vector.shape_cast %reduce_max3A_173 : vector<1xi32> to vector<1x1x1xi32>
      %reduce_max3A_175 = vector.extract %reduce_max3A_174[0, 0, 0] : i32 from vector<1x1x1xi32>
      %eq3A_176 = arith.constant 4 : i32
      %eq3A_177 = vector.broadcast %eq3A_176 : i32 to vector<16x128xi32>
      %eq3A_178 = arith.cmpi eq, %select_n3A_120, %eq3A_177 : vector<16x128xi32>
      %add3A_179 = arith.constant 1 : i32
      %add3A_180 = vector.broadcast %add3A_179 : i32 to vector<16x128xi32>
      %add3A_181 = arith.addi %reshape3A, %add3A_180 : vector<16x128xi32>
      %jit3A_182 = arith.constant 0 : i32
      %broadcast_in_dim3A_183 = vector.broadcast %jit3A_182 : i32 to vector<16x128xi32>
      %select_n3A_184 = arith.select %eq3A_178, %add3A_181, %broadcast_in_dim3A_183 : vector<16x128xi1>, vector<16x128xi32>
      %reduce_max3A_185 = vector.shape_cast %select_n3A_184 : vector<16x128xi32> to vector<1x16x128xi32>
      %reduce_max3A_186 = arith.constant dense<-2147483648> : vector<1xi32>
      %reduce_max3A_187 = vector.multi_reduction <maxsi>, %reduce_max3A_185, %reduce_max3A_186 [1, 2] : vector<1x16x128xi32> to vector<1xi32>
      %reduce_max3A_188 = vector.shape_cast %reduce_max3A_187 : vector<1xi32> to vector<1x1x1xi32>
      %reduce_max3A_189 = vector.extract %reduce_max3A_188[0, 0, 0] : i32 from vector<1x1x1xi32>
      %eq3A_190 = arith.constant 5 : i32
      %eq3A_191 = vector.broadcast %eq3A_190 : i32 to vector<16x128xi32>
      %eq3A_192 = arith.cmpi eq, %select_n3A_120, %eq3A_191 : vector<16x128xi32>
      %add3A_193 = arith.constant 1 : i32
      %add3A_194 = vector.broadcast %add3A_193 : i32 to vector<16x128xi32>
      %add3A_195 = arith.addi %reshape3A, %add3A_194 : vector<16x128xi32>
      %jit3A_196 = arith.constant 0 : i32
      %broadcast_in_dim3A_197 = vector.broadcast %jit3A_196 : i32 to vector<16x128xi32>
      %select_n3A_198 = arith.select %eq3A_192, %add3A_195, %broadcast_in_dim3A_197 : vector<16x128xi1>, vector<16x128xi32>
      %reduce_max3A_199 = vector.shape_cast %select_n3A_198 : vector<16x128xi32> to vector<1x16x128xi32>
      %reduce_max3A_200 = arith.constant dense<-2147483648> : vector<1xi32>
      %reduce_max3A_201 = vector.multi_reduction <maxsi>, %reduce_max3A_199, %reduce_max3A_200 [1, 2] : vector<1x16x128xi32> to vector<1xi32>
      %reduce_max3A_202 = vector.shape_cast %reduce_max3A_201 : vector<1xi32> to vector<1x1x1xi32>
      %reduce_max3A_203 = vector.extract %reduce_max3A_202[0, 0, 0] : i32 from vector<1x1x1xi32>
      %eq3A_204 = arith.constant 6 : i32
      %eq3A_205 = vector.broadcast %eq3A_204 : i32 to vector<16x128xi32>
      %eq3A_206 = arith.cmpi eq, %select_n3A_120, %eq3A_205 : vector<16x128xi32>
      %add3A_207 = arith.constant 1 : i32
      %add3A_208 = vector.broadcast %add3A_207 : i32 to vector<16x128xi32>
      %add3A_209 = arith.addi %reshape3A, %add3A_208 : vector<16x128xi32>
      %jit3A_210 = arith.constant 0 : i32
      %broadcast_in_dim3A_211 = vector.broadcast %jit3A_210 : i32 to vector<16x128xi32>
      %select_n3A_212 = arith.select %eq3A_206, %add3A_209, %broadcast_in_dim3A_211 : vector<16x128xi1>, vector<16x128xi32>
      %reduce_max3A_213 = vector.shape_cast %select_n3A_212 : vector<16x128xi32> to vector<1x16x128xi32>
      %reduce_max3A_214 = arith.constant dense<-2147483648> : vector<1xi32>
      %reduce_max3A_215 = vector.multi_reduction <maxsi>, %reduce_max3A_213, %reduce_max3A_214 [1, 2] : vector<1x16x128xi32> to vector<1xi32>
      %reduce_max3A_216 = vector.shape_cast %reduce_max3A_215 : vector<1xi32> to vector<1x1x1xi32>
      %reduce_max3A_217 = vector.extract %reduce_max3A_216[0, 0, 0] : i32 from vector<1x1x1xi32>
      %eq3A_218 = arith.constant 7 : i32
      %eq3A_219 = vector.broadcast %eq3A_218 : i32 to vector<16x128xi32>
      %eq3A_220 = arith.cmpi eq, %select_n3A_120, %eq3A_219 : vector<16x128xi32>
      %add3A_221 = arith.constant 1 : i32
      %add3A_222 = vector.broadcast %add3A_221 : i32 to vector<16x128xi32>
      %add3A_223 = arith.addi %reshape3A, %add3A_222 : vector<16x128xi32>
      %jit3A_224 = arith.constant 0 : i32
      %broadcast_in_dim3A_225 = vector.broadcast %jit3A_224 : i32 to vector<16x128xi32>
      %select_n3A_226 = arith.select %eq3A_220, %add3A_223, %broadcast_in_dim3A_225 : vector<16x128xi1>, vector<16x128xi32>
      %reduce_max3A_227 = vector.shape_cast %select_n3A_226 : vector<16x128xi32> to vector<1x16x128xi32>
      %reduce_max3A_228 = arith.constant dense<-2147483648> : vector<1xi32>
      %reduce_max3A_229 = vector.multi_reduction <maxsi>, %reduce_max3A_227, %reduce_max3A_228 [1, 2] : vector<1x16x128xi32> to vector<1xi32>
      %reduce_max3A_230 = vector.shape_cast %reduce_max3A_229 : vector<1xi32> to vector<1x1x1xi32>
      %reduce_max3A_231 = vector.extract %reduce_max3A_230[0, 0, 0] : i32 from vector<1x1x1xi32>
      %eq3A_232 = arith.constant 8 : i32
      %eq3A_233 = vector.broadcast %eq3A_232 : i32 to vector<16x128xi32>
      %eq3A_234 = arith.cmpi eq, %select_n3A_120, %eq3A_233 : vector<16x128xi32>
      %add3A_235 = arith.constant 1 : i32
      %add3A_236 = vector.broadcast %add3A_235 : i32 to vector<16x128xi32>
      %add3A_237 = arith.addi %reshape3A, %add3A_236 : vector<16x128xi32>
      %jit3A_238 = arith.constant 0 : i32
      %broadcast_in_dim3A_239 = vector.broadcast %jit3A_238 : i32 to vector<16x128xi32>
      %select_n3A_240 = arith.select %eq3A_234, %add3A_237, %broadcast_in_dim3A_239 : vector<16x128xi1>, vector<16x128xi32>
      %reduce_max3A_241 = vector.shape_cast %select_n3A_240 : vector<16x128xi32> to vector<1x16x128xi32>
      %reduce_max3A_242 = arith.constant dense<-2147483648> : vector<1xi32>
      %reduce_max3A_243 = vector.multi_reduction <maxsi>, %reduce_max3A_241, %reduce_max3A_242 [1, 2] : vector<1x16x128xi32> to vector<1xi32>
      %reduce_max3A_244 = vector.shape_cast %reduce_max3A_243 : vector<1xi32> to vector<1x1x1xi32>
      %reduce_max3A_245 = vector.extract %reduce_max3A_244[0, 0, 0] : i32 from vector<1x1x1xi32>
      %eq3A_246 = arith.constant 9 : i32
      %eq3A_247 = vector.broadcast %eq3A_246 : i32 to vector<16x128xi32>
      %eq3A_248 = arith.cmpi eq, %select_n3A_120, %eq3A_247 : vector<16x128xi32>
      %add3A_249 = arith.constant 1 : i32
      %add3A_250 = vector.broadcast %add3A_249 : i32 to vector<16x128xi32>
      %add3A_251 = arith.addi %reshape3A, %add3A_250 : vector<16x128xi32>
      %jit3A_252 = arith.constant 0 : i32
      %broadcast_in_dim3A_253 = vector.broadcast %jit3A_252 : i32 to vector<16x128xi32>
      %select_n3A_254 = arith.select %eq3A_248, %add3A_251, %broadcast_in_dim3A_253 : vector<16x128xi1>, vector<16x128xi32>
      %reduce_max3A_255 = vector.shape_cast %select_n3A_254 : vector<16x128xi32> to vector<1x16x128xi32>
      %reduce_max3A_256 = arith.constant dense<-2147483648> : vector<1xi32>
      %reduce_max3A_257 = vector.multi_reduction <maxsi>, %reduce_max3A_255, %reduce_max3A_256 [1, 2] : vector<1x16x128xi32> to vector<1xi32>
      %reduce_max3A_258 = vector.shape_cast %reduce_max3A_257 : vector<1xi32> to vector<1x1x1xi32>
      %reduce_max3A_259 = vector.extract %reduce_max3A_258[0, 0, 0] : i32 from vector<1x1x1xi32>
      %eq3A_260 = arith.constant 10 : i32
      %eq3A_261 = vector.broadcast %eq3A_260 : i32 to vector<16x128xi32>
      %eq3A_262 = arith.cmpi eq, %select_n3A_120, %eq3A_261 : vector<16x128xi32>
      %add3A_263 = arith.constant 1 : i32
      %add3A_264 = vector.broadcast %add3A_263 : i32 to vector<16x128xi32>
      %add3A_265 = arith.addi %reshape3A, %add3A_264 : vector<16x128xi32>
      %jit3A_266 = arith.constant 0 : i32
      %broadcast_in_dim3A_267 = vector.broadcast %jit3A_266 : i32 to vector<16x128xi32>
      %select_n3A_268 = arith.select %eq3A_262, %add3A_265, %broadcast_in_dim3A_267 : vector<16x128xi1>, vector<16x128xi32>
      %reduce_max3A_269 = vector.shape_cast %select_n3A_268 : vector<16x128xi32> to vector<1x16x128xi32>
      %reduce_max3A_270 = arith.constant dense<-2147483648> : vector<1xi32>
      %reduce_max3A_271 = vector.multi_reduction <maxsi>, %reduce_max3A_269, %reduce_max3A_270 [1, 2] : vector<1x16x128xi32> to vector<1xi32>
      %reduce_max3A_272 = vector.shape_cast %reduce_max3A_271 : vector<1xi32> to vector<1x1x1xi32>
      %reduce_max3A_273 = vector.extract %reduce_max3A_272[0, 0, 0] : i32 from vector<1x1x1xi32>
      %eq3A_274 = arith.constant 11 : i32
      %eq3A_275 = vector.broadcast %eq3A_274 : i32 to vector<16x128xi32>
      %eq3A_276 = arith.cmpi eq, %select_n3A_120, %eq3A_275 : vector<16x128xi32>
      %add3A_277 = arith.constant 1 : i32
      %add3A_278 = vector.broadcast %add3A_277 : i32 to vector<16x128xi32>
      %add3A_279 = arith.addi %reshape3A, %add3A_278 : vector<16x128xi32>
      %jit3A_280 = arith.constant 0 : i32
      %broadcast_in_dim3A_281 = vector.broadcast %jit3A_280 : i32 to vector<16x128xi32>
      %select_n3A_282 = arith.select %eq3A_276, %add3A_279, %broadcast_in_dim3A_281 : vector<16x128xi1>, vector<16x128xi32>
      %reduce_max3A_283 = vector.shape_cast %select_n3A_282 : vector<16x128xi32> to vector<1x16x128xi32>
      %reduce_max3A_284 = arith.constant dense<-2147483648> : vector<1xi32>
      %reduce_max3A_285 = vector.multi_reduction <maxsi>, %reduce_max3A_283, %reduce_max3A_284 [1, 2] : vector<1x16x128xi32> to vector<1xi32>
      %reduce_max3A_286 = vector.shape_cast %reduce_max3A_285 : vector<1xi32> to vector<1x1x1xi32>
      %reduce_max3A_287 = vector.extract %reduce_max3A_286[0, 0, 0] : i32 from vector<1x1x1xi32>
      %eq3A_288 = arith.constant 12 : i32
      %eq3A_289 = vector.broadcast %eq3A_288 : i32 to vector<16x128xi32>
      %eq3A_290 = arith.cmpi eq, %select_n3A_120, %eq3A_289 : vector<16x128xi32>
      %add3A_291 = arith.constant 1 : i32
      %add3A_292 = vector.broadcast %add3A_291 : i32 to vector<16x128xi32>
      %add3A_293 = arith.addi %reshape3A, %add3A_292 : vector<16x128xi32>
      %jit3A_294 = arith.constant 0 : i32
      %broadcast_in_dim3A_295 = vector.broadcast %jit3A_294 : i32 to vector<16x128xi32>
      %select_n3A_296 = arith.select %eq3A_290, %add3A_293, %broadcast_in_dim3A_295 : vector<16x128xi1>, vector<16x128xi32>
      %reduce_max3A_297 = vector.shape_cast %select_n3A_296 : vector<16x128xi32> to vector<1x16x128xi32>
      %reduce_max3A_298 = arith.constant dense<-2147483648> : vector<1xi32>
      %reduce_max3A_299 = vector.multi_reduction <maxsi>, %reduce_max3A_297, %reduce_max3A_298 [1, 2] : vector<1x16x128xi32> to vector<1xi32>
      %reduce_max3A_300 = vector.shape_cast %reduce_max3A_299 : vector<1xi32> to vector<1x1x1xi32>
      %reduce_max3A_301 = vector.extract %reduce_max3A_300[0, 0, 0] : i32 from vector<1x1x1xi32>
      %eq3A_302 = arith.constant 13 : i32
      %eq3A_303 = vector.broadcast %eq3A_302 : i32 to vector<16x128xi32>
      %eq3A_304 = arith.cmpi eq, %select_n3A_120, %eq3A_303 : vector<16x128xi32>
      %add3A_305 = arith.constant 1 : i32
      %add3A_306 = vector.broadcast %add3A_305 : i32 to vector<16x128xi32>
      %add3A_307 = arith.addi %reshape3A, %add3A_306 : vector<16x128xi32>
      %jit3A_308 = arith.constant 0 : i32
      %broadcast_in_dim3A_309 = vector.broadcast %jit3A_308 : i32 to vector<16x128xi32>
      %select_n3A_310 = arith.select %eq3A_304, %add3A_307, %broadcast_in_dim3A_309 : vector<16x128xi1>, vector<16x128xi32>
      %reduce_max3A_311 = vector.shape_cast %select_n3A_310 : vector<16x128xi32> to vector<1x16x128xi32>
      %reduce_max3A_312 = arith.constant dense<-2147483648> : vector<1xi32>
      %reduce_max3A_313 = vector.multi_reduction <maxsi>, %reduce_max3A_311, %reduce_max3A_312 [1, 2] : vector<1x16x128xi32> to vector<1xi32>
      %reduce_max3A_314 = vector.shape_cast %reduce_max3A_313 : vector<1xi32> to vector<1x1x1xi32>
      %reduce_max3A_315 = vector.extract %reduce_max3A_314[0, 0, 0] : i32 from vector<1x1x1xi32>
      %eq3A_316 = arith.constant 14 : i32
      %eq3A_317 = vector.broadcast %eq3A_316 : i32 to vector<16x128xi32>
      %eq3A_318 = arith.cmpi eq, %select_n3A_120, %eq3A_317 : vector<16x128xi32>
      %add3A_319 = arith.constant 1 : i32
      %add3A_320 = vector.broadcast %add3A_319 : i32 to vector<16x128xi32>
      %add3A_321 = arith.addi %reshape3A, %add3A_320 : vector<16x128xi32>
      %jit3A_322 = arith.constant 0 : i32
      %broadcast_in_dim3A_323 = vector.broadcast %jit3A_322 : i32 to vector<16x128xi32>
      %select_n3A_324 = arith.select %eq3A_318, %add3A_321, %broadcast_in_dim3A_323 : vector<16x128xi1>, vector<16x128xi32>
      %reduce_max3A_325 = vector.shape_cast %select_n3A_324 : vector<16x128xi32> to vector<1x16x128xi32>
      %reduce_max3A_326 = arith.constant dense<-2147483648> : vector<1xi32>
      %reduce_max3A_327 = vector.multi_reduction <maxsi>, %reduce_max3A_325, %reduce_max3A_326 [1, 2] : vector<1x16x128xi32> to vector<1xi32>
      %reduce_max3A_328 = vector.shape_cast %reduce_max3A_327 : vector<1xi32> to vector<1x1x1xi32>
      %reduce_max3A_329 = vector.extract %reduce_max3A_328[0, 0, 0] : i32 from vector<1x1x1xi32>
      %eq3A_330 = arith.constant 15 : i32
      %eq3A_331 = vector.broadcast %eq3A_330 : i32 to vector<16x128xi32>
      %eq3A_332 = arith.cmpi eq, %select_n3A_120, %eq3A_331 : vector<16x128xi32>
      %add3A_333 = arith.constant 1 : i32
      %add3A_334 = vector.broadcast %add3A_333 : i32 to vector<16x128xi32>
      %add3A_335 = arith.addi %reshape3A, %add3A_334 : vector<16x128xi32>
      %jit3A_336 = arith.constant 0 : i32
      %broadcast_in_dim3A_337 = vector.broadcast %jit3A_336 : i32 to vector<16x128xi32>
      %select_n3A_338 = arith.select %eq3A_332, %add3A_335, %broadcast_in_dim3A_337 : vector<16x128xi1>, vector<16x128xi32>
      %reduce_max3A_339 = vector.shape_cast %select_n3A_338 : vector<16x128xi32> to vector<1x16x128xi32>
      %reduce_max3A_340 = arith.constant dense<-2147483648> : vector<1xi32>
      %reduce_max3A_341 = vector.multi_reduction <maxsi>, %reduce_max3A_339, %reduce_max3A_340 [1, 2] : vector<1x16x128xi32> to vector<1xi32>
      %reduce_max3A_342 = vector.shape_cast %reduce_max3A_341 : vector<1xi32> to vector<1x1x1xi32>
      %reduce_max3A_343 = vector.extract %reduce_max3A_342[0, 0, 0] : i32 from vector<1x1x1xi32>
      %stack3A = vector.broadcast %reduce_max3A_133 : i32 to vector<1xi32>
      %stack3A_344 = vector.broadcast %reduce_max3A_147 : i32 to vector<1xi32>
      %stack3A_345 = vector.broadcast %reduce_max3A_161 : i32 to vector<1xi32>
      %stack3A_346 = vector.broadcast %reduce_max3A_175 : i32 to vector<1xi32>
      %stack3A_347 = vector.broadcast %reduce_max3A_189 : i32 to vector<1xi32>
      %stack3A_348 = vector.broadcast %reduce_max3A_203 : i32 to vector<1xi32>
      %stack3A_349 = vector.broadcast %reduce_max3A_217 : i32 to vector<1xi32>
      %stack3A_350 = vector.broadcast %reduce_max3A_231 : i32 to vector<1xi32>
      %stack3A_351 = vector.broadcast %reduce_max3A_245 : i32 to vector<1xi32>
      %stack3A_352 = vector.broadcast %reduce_max3A_259 : i32 to vector<1xi32>
      %stack3A_353 = vector.broadcast %reduce_max3A_273 : i32 to vector<1xi32>
      %stack3A_354 = vector.broadcast %reduce_max3A_287 : i32 to vector<1xi32>
      %stack3A_355 = vector.broadcast %reduce_max3A_301 : i32 to vector<1xi32>
      %stack3A_356 = vector.broadcast %reduce_max3A_315 : i32 to vector<1xi32>
      %stack3A_357 = vector.broadcast %reduce_max3A_329 : i32 to vector<1xi32>
      %stack3A_358 = vector.broadcast %reduce_max3A_343 : i32 to vector<1xi32>
      %stack3A_359 = tpu.concatenate %stack3A, %stack3A_344, %stack3A_345, %stack3A_346, %stack3A_347, %stack3A_348, %stack3A_349, %stack3A_350, %stack3A_351, %stack3A_352, %stack3A_353, %stack3A_354, %stack3A_355, %stack3A_356, %stack3A_357, %stack3A_358 in 0 : vector<1xi32>, vector<1xi32>, vector<1xi32>, vector<1xi32>, vector<1xi32>, vector<1xi32>, vector<1xi32>, vector<1xi32>, vector<1xi32>, vector<1xi32>, vector<1xi32>, vector<1xi32>, vector<1xi32>, vector<1xi32>, vector<1xi32>, vector<1xi32> -> vector<16xi32>
      %reshape3A_360 = vector.shape_cast %stack3A_359 : vector<16xi32> to vector<1x16xi32>
      %jit3A_361 = arith.constant 0 : i32
      %pad3A = vector.broadcast %jit3A_361 : i32 to vector<1x112xi32>
      %pad3A_362 = tpu.concatenate %reshape3A_360, %pad3A in 1 : vector<1x16xi32>, vector<1x112xi32> -> vector<1x128xi32>
      %reduce_max3A_363 = arith.constant dense<-2147483648> : vector<1xi32>
      %reduce_max3A_364 = vector.multi_reduction <maxsi>, %pad3A_362, %reduce_max3A_363 [1] : vector<1x128xi32> to vector<1xi32>
      %broadcast_in_dim3A_365 = vector.shape_cast %reduce_max3A_364 : vector<1xi32> to vector<1x1xi32>
      %sub3A_366 = arith.constant 1 : i32
      %sub3A_367 = vector.broadcast %sub3A_366 : i32 to vector<1x1xi32>
      %sub3A_368 = arith.subi %broadcast_in_dim3A_365, %sub3A_367 : vector<1x1xi32>
      %gt3A = arith.constant 0 : i32
      %gt3A_369 = vector.broadcast %gt3A : i32 to vector<1x128xi32>
      %gt3A_370 = arith.cmpi sgt, %pad3A_362, %gt3A_369 : vector<1x128xi32>
      %sub3A_371 = arith.constant 1 : i32
      %sub3A_372 = vector.broadcast %sub3A_371 : i32 to vector<1x128xi32>
      %sub3A_373 = arith.subi %pad3A_362, %sub3A_372 : vector<1x128xi32>
      %broadcast_in_dim3A_374 = vector.shape_cast %sub3A_368 : vector<1x1xi32> to vector<1x1xi32>
      %broadcast_in_dim3A_375 = vector.broadcast %broadcast_in_dim3A_374 : vector<1x1xi32> to vector<1x128xi32>
      %select_n3A_376 = arith.select %gt3A_370, %sub3A_373, %broadcast_in_dim3A_375 : vector<1x128xi1>, vector<1x128xi32>
      %swap3A_377 = arith.constant 0 : index
      %swap3A_378 = arith.constant 0 : index
      %swap3A_379 = vector.load %arg5[%swap3A_377, %swap3A_378] : memref<1x128xi32, #tpu.memory_space<vmem>>, vector<1x128xi32>
      tpu.vector_store %arg5[%swap3A_377, %swap3A_378], %select_n3A_376 {strides = array<i32>} : memref<1x128xi32, #tpu.memory_space<vmem>>, vector<1x128xi32>,
      %gt3A_380 = arith.constant 0 : i32
      %gt3A_381 = vector.broadcast %gt3A_380 : i32 to vector<1x128xi32>
      %gt3A_382 = arith.cmpi sgt, %pad3A_362, %gt3A_381 : vector<1x128xi32>
      %convert_element_type3A_383 = arith.extui %gt3A_382 : vector<1x128xi1> to vector<1x128xi32>
      %swap3A_384 = arith.constant 0 : index
      %swap3A_385 = arith.constant 0 : index
      %swap3A_386 = vector.load %arg6[%swap3A_384, %swap3A_385] : memref<1x128xi32, #tpu.memory_space<vmem>>, vector<1x128xi32>
      tpu.vector_store %arg6[%swap3A_384, %swap3A_385], %convert_element_type3A_383 {strides = array<i32>} : memref<1x128xi32, #tpu.memory_space<vmem>>, vector<1x128xi32>,
      %reduce_sum3A = arith.constant dense<0> : vector<1xi32>
      %reduce_sum3A_387 = vector.multi_reduction <add>, %convert_element_type3A_383, %reduce_sum3A [1] : vector<1x128xi32> to vector<1xi32>
      %broadcast_in_dim3A_388 = vector.shape_cast %reduce_sum3A_387 : vector<1xi32> to vector<1x1xi32>
      %iota3A_389 = tpu.iota {dimensions = array<i32: 1>} : vector<1x128xi32>
      %sub3A_390 = arith.constant 1 : i32
      %sub3A_391 = vector.broadcast %sub3A_390 : i32 to vector<1x1xi32>
      %sub3A_392 = arith.subi %broadcast_in_dim3A_388, %sub3A_391 : vector<1x1xi32>
      %min3A = vector.broadcast %sub3A_392 : vector<1x1xi32> to vector<1x128xi32>
      %min3A_393 = arith.minsi %iota3A_389, %min3A : vector<1x128xi32>
      %swap3A_394 = arith.constant 0 : index
      %swap3A_395 = arith.constant 0 : index
      %swap3A_396 = vector.load %arg7[%swap3A_394, %swap3A_395] : memref<1x128xi32, #tpu.memory_space<vmem>>, vector<1x128xi32>
      tpu.vector_store %arg7[%swap3A_394, %swap3A_395], %min3A_393 {strides = array<i32>} : memref<1x128xi32, #tpu.memory_space<vmem>>, vector<1x128xi32>,
    } else {
    }
    return
  }
  func.func @transform_0(%arg0: i32) -> (i32, i32) {
    %c0_i32 = arith.constant 0 : i32
    %c0_i32_0 = arith.constant 0 : i32
    %c0_i32_1 = arith.constant 0 : i32
    return %c0_i32, %c0_i32_0 : i32, i32
  }
  func.func @transform_1(%arg0: i32) -> (i32, i32) {
    %min3A = arith.constant 3 : i32
    %min3A_0 = arith.minsi %arg0, %min3A : i32
    %c0_i32 = arith.constant 0 : i32
    %c0_i32_1 = arith.constant 0 : i32
    return %min3A_0, %c0_i32 : i32, i32
  }
  func.func @transform_2(%arg0: i32) -> (i32, i32, i32) {
    %min3A = arith.constant 3 : i32
    %min3A_0 = arith.minsi %arg0, %min3A : i32
    %c0_i32 = arith.constant 0 : i32
    %c0_i32_1 = arith.constant 0 : i32
    %c0_i32_2 = arith.constant 0 : i32
    return %min3A_0, %c0_i32, %c0_i32_1 : i32, i32, i32
  }
  func.func @transform_3(%arg0: i32) -> (i32, i32) {
    %c0_i32 = arith.constant 0 : i32
    %c0_i32_0 = arith.constant 0 : i32
    %c0_i32_1 = arith.constant 0 : i32
    return %c0_i32, %c0_i32_0 : i32, i32
  }
  func.func @transform_4(%arg0: i32) -> (i32, i32) {
    %c0_i32 = arith.constant 0 : i32
    %c0_i32_0 = arith.constant 0 : i32
    %c0_i32_1 = arith.constant 0 : i32
    return %c0_i32, %c0_i32_0 : i32, i32
  }
  func.func @transform_5(%arg0: i32) -> (i32, i32) {
    %c0_i32 = arith.constant 0 : i32
    %c0_i32_0 = arith.constant 0 : i32
    %c0_i32_1 = arith.constant 0 : i32
    return %c0_i32, %c0_i32_0 : i32, i32
  }
  func.func @transform_6(%arg0: i32) -> (i32, i32) {
    %c0_i32 = arith.constant 0 : i32
    %c0_i32_0 = arith.constant 0 : i32
    %c0_i32_1 = arith.constant 0 : i32
    return %c0_i32, %c0_i32_0 : i32, i32
  }
}

</mosaic_0001>

<sc_bundles>
// kernel: kernel.6.cloned.1.call-start
scs
__scs_entry_jumppad:
0x0: {  	(pc) =	sbr.rel $0x88, $3  }
0x1: {  	(tag) =	ssettag $0x0;
	lr =	simm.s32 $0x1  }
0x2: {  	[smem:$0x3F9D] =	sst lr;
	_ =	strace $0xD0000000  }
0x3: {  	_ = 	snop  }
0x4: {  	_ = 	snop  }
0x5: {  	_ = 	snop  }
0x6: {  	_ = 	snop  }
0x7: {  	_ = 	snop  }
__scs_overlays_trampoline_lowered:
0x8: {  	[smem:$0x3FAC] =	sst s0  }
0x9: {  	[smem:$0x3FAD] =	sst s1  }
0xa: {  	[smem:$0x3FAE] =	sst s2  }
0xb: {  	[smem:$0x3FAF] =	sst s3  }
0xc: {  	[smem:$0x3FB0] =	sst s4  }
0xd: {  	[smem:$0x3FB1] =	sst s5  }
0xe: {  	[smem:$0x3FB2] =	sst s6  }
0xf: {  	[smem:$0x3FB3] =	sst s7  }
0x10: {  	[smem:$0x3FB4] =	sst s8  }
0x11: {  	[smem:$0x3FB5] =	sst s9;
	s0 =	simm.s32 @!p0 $0x0  }
0x12: {  	s1 =	sld [smem:$0x3F9B];
	s0 =	simm.s32 @p0 $0x1  }
0x13: {  	[smem:$0x3FB6] =	sst s0;
	s0 =	simm.s32 @!p1 $0x0  }
0x14: {  	s2 =	sld [smem:$0x3F9A];
	s0 =	simm.s32 @p1 $0x1  }
0x15: {  	[smem:$0x3FB7] =	sst s0;
	s0 =	simm.s32 @!p2 $0x0  }
0x16: {  	s3 =	sld [smem:$0x3FDB];
	s0 =	simm.s32 @p2 $0x1  }
0x17: {  	s4 =	simm.s32 $0x1BF5;
	[smem:$0x3FB9] =	sst s0  }
0x18: {  	s0 =	sld [smem:$0x3F9C];
	_ =	swait.ge [sflag:s4], $0x0  }
0x19: {  	s7 =	sld [smem:$0x3F9D]  }
0x1a: {  	s8 =	sadd.s32 $0xFFFFE003, lr  }
0x1b: {  	s9 =	sadd.s32 $0xFFFFFEF7, lr;
	s5 =	simm.s32 $0xFFFFFFFF;
	p2 =	slt.u32 s8, $0xFFFFF086  }
0x1c: {  	p1 =	slt.u32 s9, $0xF7A;
	s5 =	simm.s32 @!p2 $0x0  }
0x1d: {  	s5 =	simm.s32 @p1 $0x1;
	p0 =	seq.s32 s7, s2  }
0x1e: {  	s7 =	smul.u32 @!p0 $0xF7A, s2;
	p2 =	seq.s32 @!p0 s5, $0x0  }
0x1f: {  	s9 =	smul.u32 $0xF7A, s1;
	s8 =	simm.s32 @!p0 $0x1BF5;
	p2 =	por !p2, p0  }
0x20: {  	[sflag:s8] =	ssyncset.s32 @!p0 $0xFFFFF086;
	s6 =	sadd.s32 @!p0 s3, s7;
	s7 =	simm.s32 @!p0 $0x108  }
0x21: {  	s3 =	sadd.s32 s3, s9;
	s6 =	sadd.s32 @!p0 $0x88, s6;
	s7 =	simm.s32 @p2 $0x1082  }
0x22: {  	[simem:s7], [sflag:s8] =	dma.local @!p0 [hbm:s6], $0xF7A  }
0x23: {  	s9 =	sor.u32 $0xD0000000, s2;
	s6 =	simm.s32 $0x108;
	_ =	swait.ge @!p0 [sflag:s8], $0x0  }
0x24: {  	s3 =	sadd.s32 $0x88, s3;
	s6 =	simm.s32 @!p1 $0x1082;
	[sflag:s4] =	ssyncset.s32 $0xFFFFF086  }
0x25: {  	[simem:s6], [sflag:s4] =	dma.local [hbm:s3], $0xF7A  }
0x26: {  	[smem:$0x3F9D] =	sst s1;
	(tag) =	ssettag s2;
	_ =	strace s9  }
0x27: {  	s1 =	sld [smem:$0x3FAD]  }
0x28: {  	s2 =	sld [smem:$0x3FAE]  }
0x29: {  	s4 =	sld [smem:$0x3FB0]  }
0x2a: {  	p0 =	seq.s32 s5, $0x0;
	s5 =	sld [smem:$0x3FB1]  }
0x2b: {  	s6 =	sld [smem:$0x3FB2]  }
0x2c: {  	s7 =	sld [smem:$0x3FB3]  }
0x2d: {  	s3 =	simm.s32 $0x108;
	s8 =	sld [smem:$0x3FB4]  }
0x2e: {  	s3 =	simm.s32 @!p0 $0x1082;
	s9 =	sld [smem:$0x3FB5]  }
0x2f: {  	lr =	sadd.s32 s0, s3;
	s0 =	sld [smem:$0x3FAC]  }
0x30: {  	s3 =	sld [smem:$0x3FAF]  }
0x31: {  	[smem:$0x3FB8] =	sst s10  }
0x32: {  	s10 =	sld [smem:$0x3FB6];
	_ =	sdelay $0x3  }
0x33: {  	p0 =	seq.s32 s10, $0x1;
	s10 =	sld [smem:$0x3FB8];
	_ =	sdelay $0x3  }
0x34: {  	[smem:$0x3FB8] =	sst s10  }
0x35: {  	s10 =	sld [smem:$0x3FB7];
	_ =	sdelay $0x3  }
0x36: {  	p1 =	seq.s32 s10, $0x1;
	s10 =	sld [smem:$0x3FB8];
	_ =	sdelay $0x3  }
0x37: {  	[smem:$0x3FB8] =	sst s10  }
0x38: {  	s10 =	sld [smem:$0x3FB9]  }
0x39: {  	_ = 	snop;
	(pc) =	sbr.ind lr, $3  }
0x3a: {  	_ = 	snop  }
0x3b: {  	_ = 	snop  }
0x3c: {  	p2 =	seq.s32 s10, $0x1;
	s10 =	sld [smem:$0x3FB8]  }
0x3d: {  	_ =	shalt  }
0x3e: {  	_ =	shalt  }
0x3f: {  	_ =	shalt  }
0x40: {  	_ =	shalt  }
0x41: {  	_ =	shalt  }
0x42: {  	_ =	shalt  }
0x43: {  	_ =	shalt  }
0x44: {  	_ =	shalt  }
0x45: {  	_ =	shalt  }
0x46: {  	_ =	shalt  }
0x47: {  	_ =	shalt  }
0x48: {  	_ =	shalt  }
0x49: {  	_ =	shalt  }
0x4a: {  	_ =	shalt  }
0x4b: {  	_ =	shalt  }
0x4c: {  	_ =	shalt  }
0x4d: {  	_ =	shalt  }
0x4e: {  	_ =	shalt  }
0x4f: {  	_ =	shalt  }
0x50: {  	_ =	shalt  }
0x51: {  	_ =	shalt  }
0x52: {  	_ =	shalt  }
0x53: {  	_ =	shalt  }
0x54: {  	_ =	shalt  }
0x55: {  	_ =	shalt  }
0x56: {  	_ =	shalt  }
0x57: {  	_ =	shalt  }
0x58: {  	_ =	shalt  }
0x59: {  	_ =	shalt  }
0x5a: {  	_ =	shalt  }
0x5b: {  	_ =	shalt  }
0x5c: {  	_ =	shalt  }
0x5d: {  	_ =	shalt  }
0x5e: {  	_ =	shalt  }
0x5f: {  	_ =	shalt  }
0x60: {  	_ =	shalt  }
0x61: {  	_ =	shalt  }
0x62: {  	_ =	shalt  }
0x63: {  	_ =	shalt  }
0x64: {  	_ =	shalt  }
0x65: {  	_ =	shalt  }
0x66: {  	_ =	shalt  }
0x67: {  	_ =	shalt  }
0x68: {  	_ =	shalt  }
0x69: {  	_ =	shalt  }
0x6a: {  	_ =	shalt  }
0x6b: {  	_ =	shalt  }
0x6c: {  	_ =	shalt  }
0x6d: {  	_ =	shalt  }
0x6e: {  	_ =	shalt  }
0x6f: {  	_ =	shalt  }
0x70: {  	_ =	shalt  }
0x71: {  	_ =	shalt  }
0x72: {  	_ =	shalt  }
0x73: {  	_ =	shalt  }
0x74: {  	_ =	shalt  }
0x75: {  	_ =	shalt  }
0x76: {  	_ =	shalt  }
0x77: {  	_ =	shalt  }
0x78: {  	_ =	shalt  }
0x79: {  	_ =	shalt  }
0x7a: {  	_ =	shalt  }
0x7b: {  	_ =	shalt  }
0x7c: {  	_ =	shalt  }
0x7d: {  	_ =	shalt  }
0x7e: {  	_ =	shalt  }
0x7f: {  	_ =	shalt  }
0x80: {  	_ =	shalt  }
0x81: {  	_ =	shalt  }
0x82: {  	_ =	shalt  }
0x83: {  	_ =	shalt  }
0x84: {  	_ =	shalt  }
0x85: {  	_ =	shalt  }
0x86: {  	_ =	shalt  }
0x87: {  	_ =	shalt  }
.Lfunc_end0:
.L_simem_size_0:
called_computation_lowered:
.L_overlay_start_0:
0x88: {  	s2 =	sld [smem:$0x3FD9]  }
0x89: {  	s3 =	sld [smem:$0x3FFE];
	_ =	sdelay $0x1  }
0x8a: {  	s1 =	srdreg.scid  }
0x8b: {  	s0 =	sand.u32 $0x1, s1  }
0x8c: {  	s17 =	sshll.u32 s0, $0xA;
	s2 =	sadd.s32 s3, s2  }
0x8d: {  	s2 =	sadd.s32 s2, s17  }
0x8e: {  	[smem:$0x3FC4] =	sst s2  }
0x8f: {  	_ = 	snop  }
0x90: {  	s2 =	sld [smem:$0x3FC9];
	(tm) =	ssettm $0x1  }
0x91: {  	s18 =	sld [smem:$0x3FFB];
	_ =	sdelay $0x3  }
0x92: {  	_ =	strace s18  }
0x93: {  	s3 =	sld [smem:$0x3FFC];
	_ =	sdelay $0x3  }
0x94: {  	_ =	strace s3  }
0x95: {  	s3 =	sld [smem:$0x3FFD];
	_ =	sdelay $0x3  }
0x96: {  	_ =	strace s3  }
0x97: {  	_ =	strace $0x8FFFFFFF  }
0x98: {  	s19 =	sld [smem:$0x3FDB];
	_ =	sdelay $0x1  }
0x99: {  	s4 =	simm.s32 $_scs_section_size  }
0x9a: {  	s5 =	simm.s32 $_size__tile_overlayer_lowered;
	s6 =	simm.s32 $_tile_overlayer_lowered  }
0x9b: {  	s22 =	simm.s32 $0x1BFF;
	s21 =	sshll.u32 s6, $0x1;
	s3 =	sadd.s32 s4, s19  }
0x9c: {  	s7 =	simm.s32 $0x0;
	s20 =	sshll.u32 s5, $0x1;
	s5 =	sadd.s32 s21, s3  }
0x9d: {  	[timem:s7], [sflag:s22] =	dma.local [hbm:s5], s20  }
0x9e: {  	_ =	swait.ge [sflag:s22], s20  }
0x9f: {  	s4 =	ssub.s32 $0x0, s20;
	[sflag:s22] =	ssyncset.done $0x0  }
0xa0: {  	[sflag:s22] =	ssyncadd.s32 s4;
	_ =	sdelay $0x1  }
0xa1: {  	s23 =	simm.s32 $0x1B8B  }
0xa2: {  	_ =	swait.ge [sflag:s23], $0x1  }
0xa3: {  	[sflag:s23] =	ssyncset.done $0x0  }
0xa4: {  	s25 =	simm.s32 $0x1B8E;
	s24 =	sld [smem:$0x3FFE];
	[sflag:s23] =	ssyncadd.s32 $0xFFFFFFFF  }
0xa5: {  	s26 =	simm.s32 $execute0_lowered;
	[smem:$0x3FD2] =	sst s25  }
0xa6: {  	s5 =	sshll.u32 s26, $0x1;
	_ =	strace $0x80000046;
	[dreg:$0x1] =	wrdreg $0xFFFFFFFF  }
0xa7: {  	s28 =	simm.s32 $_size_execute0_lowered;
	s3 =	sadd.s32 s3, s5;
	[dreg:$0x0] =	wrdreg $0x0  }
0xa8: {  	s5 =	sshll.u32 s28, $0x1;
	[dreg:$0x2] =	wrdreg s3  }
0xa9: {  	[dreg:$0x3] =	wrdreg s5  }
0xaa: {  	[dreg:$0x4] =	wrdreg $0xC0  }
0xab: {  	_ =	task [dreg:s7], $0x5FFFF  }
0xac: {  	[dreg:$0x1] =	wrdreg $0xFFFFFFFF  }
0xad: {  	[dreg:$0x0] =	wrdreg $0x60  }
0xae: {  	[dreg:$0x2] =	wrdreg s2  }
0xaf: {  	[dreg:$0x3] =	wrdreg s24  }
0xb0: {  	[dreg:$0x4] =	wrdreg $0x9  }
0xb1: {  	_ =	task.clear_ibuf [dreg:s7], $0x5FFFF;
	_ =	strace $0x90000046  }
0xb2: {  	s29 =	simm.s32 $0x9;
	_ =	strace $0x80000048  }
0xb3: {  	_ =	swait.ge [sflag:s29], $0x1  }
0xb4: {  	[sflag:s29] =	ssyncadd.s32 $0xFFFFFFFF  }
0xb5: {  	_ =	strace $0x90000048  }
0xb6: {  	_ =	sfence  }
0xb7: {  	s30 =	sld [smem:$0x0];
	_ =	sdelay $0x2  }
0xb8: {  	s31 =	sshll.u32 s1, $0xD;
	s1 =	sshrl.u32 s1, $0x2  }
0xb9: {  	s3 =	sand.u32 $0x4000, s31;
	s1 =	sadd.s32 s1, s30  }
0xba: {  	s0 =	sor.u32 s3, s0;
	s1 =	sshll.u32 s1, $0x11  }
0xbb: {  	s0 =	sor.u32 s1, s0  }
0xbc: {  	s0 =	sadd.s32 $0x8F2B, s0  }
0xbd: {  	[sflag:s0] =	ssyncadd.remote.s32 $0x1  }
0xbe: {  	_ =	sfence.sel $0xFFFF  }
0xbf: {  	[dreg:$0x0] =	wrdreg $0xFFFFFFFF;
	(pc) =	sbr.abs _section_cstart, $3  }
0xc0: {  	[dreg:$0x1] =	wrdreg $0xFFFFFFFF  }
0xc1: {  	_ =	task.clear_ibuf [dreg:s7], $0x2FFFF;
	_ =	strace $0x9FFFFFFF  }
0xc2: {  	(tm) =	ssettm $0x7FFFFFFF  }
0xc3: {  	_ =	shalt  }
tec
execute0_lowered:
.L_overlay_start_1:
0x0: {  	(tag) =	ssettag $0x1  }
0x1: {  	s1 =	srdreg.scid  }
0x2: {  	s0 =	stileid.u32;
	s3 =	rddreg [dreg:$0x0]  }
0x3: {  	s6 =	rddreg [dreg:$0x1];
	s18 =	simm.s32 $0x880;
	s19 =	simm.s32 $0x1080  }
0x4: {  	s20 =	simm.s32 $0x1880;
	s22 =	simm.s32 $0x2080;
	s23 =	simm.s32 $0x2880  }
0x5: {  	s7 =	simm.s32 $0x3080;
	s24 =	simm.s32 $0x3880;
	s8 =	simm.s32 $0x4080  }
0x6: {  	s25 =	simm.s32 $0x4880;
	s26 =	simm.s32 $0x5080;
	s1 =	sand.u32 $0x1, s1  }
0x7: {  	s9 =	simm.s32 $0x80;
	s2 =	sshll.u32 s0, $0x7;
	s4 =	sshll.u32 s1, $0x6  }
0x8: {  	s11 =	simm.s32 $0x6080;
	s4 =	sor.u32 s4, s2;
	s2 =	simm.s32 $0x0  }
0x9: {  	s12 =	simm.s32 $0x6880;
	s13 =	simm.s32 $0x7080;
	[smem:$0x7FF] =	sst s2  }
0xa: {  	s14 =	simm.s32 $0x7880;
	_ =	strace $0x80000047;
	[dreg:$0x5] =	wrdreg s18  }
0xb: {  	s15 =	simm.s32 $0x8080;
	s16 =	simm.s32 $0x8880;
	[dreg:$0x6] =	wrdreg s19  }
0xc: {  	s17 =	simm.s32 $0x9080;
	s28 =	simm.s32 $0xE080;
	[dreg:$0x7] =	wrdreg s20  }
0xd: {  	s29 =	simm.s32 $0xE880;
	s30 =	simm.s32 $0xF080;
	[dreg:$0x8] =	wrdreg s22  }
0xe: {  	s31 =	simm.s32 $0xF880;
	s1 =	ssub.s32 $0x2, s1;
	[dreg:$0x9] =	wrdreg s23  }
0xf: {  	s21 =	sshrl.u32 s1, $0x1;
	s5 =	sshrl.u32 s4, $0x3;
	[dreg:$0xa] =	wrdreg s7  }
0x10: {  	s4 =	sshll.u32 s4, $0x7;
	s1 =	ssub.s32 s1, s21;
	[dreg:$0xb] =	wrdreg s24  }
0x11: {  	s21 =	simm.s32 $0xB080;
	s5 =	sadd.s32 s5, s6;
	[dreg:$0xc] =	wrdreg s8  }
0x12: {  	s3 =	sadd.s32 s3, s4;
	s4 =	sadd.s32 $0x1700, s6;
	[dreg:$0xd] =	wrdreg s25  }
0x13: {  	s7 =	smax.u32 s1, $0x1;
	s8 =	simm.s32 $0x2;
	[dreg:$0xe] =	wrdreg s26  }
0x14: {  	s18 =	simm.s32 $0x9880;
	s19 =	simm.s32 $0xA080;
	s20 =	simm.s32 $0xA880  }
0x15: {  	s22 =	simm.s32 $0xB880;
	s23 =	simm.s32 $0xC080;
	s24 =	simm.s32 $0xC880  }
0x16: {  	v2 =	vlaneseq.u32;
	s25 =	simm.s32 $0xD080;
	s26 =	simm.s32 $0xD880;
	s1 =	simm.s32 $0x1  }
0x17: {  	vm0 =	vmmov $0xffff;
	v1 =	vshrl.u32 v2, $0x3;
	s5 =	sadd.s32 $0x1400, s5;
	[dreg:$0x4] =	wrdreg s3;
	s3 =	sadd.s32 $0x1600, s6  }
0x18: {  	v0 =	vand.u32 $0x7, v2;
	v2 =	vor.u32 $0x8, v2;
	v1 =	vmul.u32 $0x8, v1;
	[dreg:$0x3] =	wrdreg s5;
	s5 =	sadd.s32 $0x1800, s6;
	s6 =	sadd.s32 $0x1900, s6  }
.LBB2_1:
0x19: {  	s0 =	rddreg [dreg:$0x3]  }
0x1a: {  	[tilespmem:s2], [sflag:$0x2] =	stream.linear.gather [hbm4b:s0+s2], $0x40, $0x38;
	[tilespmem:$0x10080] =	vst v63  }
0x1b: {  	_ =	swait.ge [sflag:s8], $0x40  }
0x1c: {  	[sflag:s8] =	ssyncset.done $0x0  }
0x1d: {  	s10 =	rddreg [dreg:$0x4];
	[sflag:s8] =	ssyncadd.s32 $0xFFFFFFC0  }
0x1e: {  	[tilespmem:s9], [sflag:$0x2] =	stream.linear.gather [hbm4b:s10+s2], $0x10000, $0x38;
	[tilespmem:$0x10080] =	vst v63  }
0x1f: {  	_ =	swait.ge [sflag:s8], $0x10000  }
0x20: {  	[sflag:s8] =	ssyncset.done $0x0  }
0x21: {  	[sflag:s8] =	ssyncadd.s32 $0xFFFF0000  }
0x22: {  	v3 =	vld [tilespmem:$0x0];
	_ =	sdelay $0x4  }
0x23: {  	v4 =	vshll.u32 v3, $0x3  }
0x24: {  	v3 =	vand.u32 $0x7, v3;
	v4 =	vand.u32 $0xFFFFFFC0, v4  }
0x25: {  	v3 =	vor.u32 v3, v4  }
0x26: {  	v4 =	vperm.xlane v3, v0;
	_ =	sdelay $0x1  }
0x27: {  	v4 =	vadd.s32 v1, v4;
	_ =	sdelay $0x4  }
0x28: {  	[hbm4b:s3+s2] =	stream.indirect_vreg.scatter [tilespmem:s9], [sflag:$0x1], $0x80, v4, vm0, $0xb8;
	[tilespmem:$0x10080] =	vst v63  }
0x29: {  	s0 =	rddreg [dreg:$0x5];
	v3 =	vperm.xlane v3, v2  }
0x2a: {  	[hbm4b:s4+s2] =	stream.indirect_vreg.scatter [tilespmem:s0], [sflag:$0x1], $0x80, v4, vm0, $0xb8;
	[tilespmem:$0x10080] =	vst v63  }
0x2b: {  	s10 =	rddreg [dreg:$0x6];
	v3 =	vadd.s32 v1, v3  }
0x2c: {  	[hbm4b:s5+s2] =	stream.indirect_vreg.scatter [tilespmem:s10], [sflag:$0x1], $0x80, v4, vm0, $0xb8;
	[tilespmem:$0x10080] =	vst v63  }
0x2d: {  	s0 =	rddreg [dreg:$0x7]  }
0x2e: {  	[hbm4b:s6+s2] =	stream.indirect_vreg.scatter [tilespmem:s0], [sflag:$0x1], $0x80, v4, vm0, $0xb8;
	[tilespmem:$0x10080] =	vst v63  }
0x2f: {  	s10 =	rddreg [dreg:$0x8]  }
0x30: {  	[hbm4b:s3+s2] =	stream.indirect_vreg.scatter [tilespmem:s10], [sflag:$0x1], $0x80, v3, vm0, $0xb8;
	[tilespmem:$0x10080] =	vst v63  }
0x31: {  	s0 =	rddreg [dreg:$0x9]  }
0x32: {  	[hbm4b:s4+s2] =	stream.indirect_vreg.scatter [tilespmem:s0], [sflag:$0x1], $0x80, v3, vm0, $0xb8;
	[tilespmem:$0x10080] =	vst v63  }
0x33: {  	s10 =	rddreg [dreg:$0xa]  }
0x34: {  	[hbm4b:s5+s2] =	stream.indirect_vreg.scatter [tilespmem:s10], [sflag:$0x1], $0x80, v3, vm0, $0xb8;
	[tilespmem:$0x10080] =	vst v63  }
0x35: {  	s0 =	rddreg [dreg:$0xb]  }
0x36: {  	[hbm4b:s6+s2] =	stream.indirect_vreg.scatter [tilespmem:s0], [sflag:$0x1], $0x80, v3, vm0, $0xb8;
	[tilespmem:$0x10080] =	vst v63  }
0x37: {  	v3 =	vld [tilespmem:$0x10];
	_ =	sdelay $0x4  }
0x38: {  	v61 =	vshll.u32 v3, $0x3  }
0x39: {  	v3 =	vand.u32 $0x7, v3;
	v4 =	vand.u32 $0xFFFFFFC0, v61  }
0x3a: {  	v3 =	vor.u32 v3, v4  }
0x3b: {  	v4 =	vperm.xlane v3, v0;
	_ =	sdelay $0x1  }
0x3c: {  	v4 =	vadd.s32 v1, v4;
	_ =	sdelay $0x3  }
0x3d: {  	s0 =	rddreg [dreg:$0xc]  }
0x3e: {  	[hbm4b:s3+s2] =	stream.indirect_vreg.scatter [tilespmem:s0], [sflag:$0x1], $0x80, v4, vm0, $0xb8;
	[tilespmem:$0x10080] =	vst v63  }
0x3f: {  	s10 =	rddreg [dreg:$0xd];
	v3 =	vperm.xlane v3, v2  }
0x40: {  	[hbm4b:s4+s2] =	stream.indirect_vreg.scatter [tilespmem:s10], [sflag:$0x1], $0x80, v4, vm0, $0xb8;
	[tilespmem:$0x10080] =	vst v63  }
0x41: {  	v3 =	vadd.s32 v1, v3;
	s0 =	rddreg [dreg:$0xe]  }
0x42: {  	[hbm4b:s5+s2] =	stream.indirect_vreg.scatter [tilespmem:s0], [sflag:$0x1], $0x80, v4, vm0, $0xb8;
	[tilespmem:$0x10080] =	vst v63  }
0x43: {  	s10 =	simm.s32 $0x5880  }
0x44: {  	[hbm4b:s6+s2] =	stream.indirect_vreg.scatter [tilespmem:s10], [sflag:$0x1], $0x80, v4, vm0, $0xb8;
	[tilespmem:$0x10080] =	vst v63  }
0x45: {  	_ = 	snop  }
0x46: {  	[hbm4b:s3+s2] =	stream.indirect_vreg.scatter [tilespmem:s11], [sflag:$0x1], $0x80, v3, vm0, $0xb8;
	[tilespmem:$0x10080] =	vst v63  }
0x47: {  	_ = 	snop  }
0x48: {  	[hbm4b:s4+s2] =	stream.indirect_vreg.scatter [tilespmem:s12], [sflag:$0x1], $0x80, v3, vm0, $0xb8;
	[tilespmem:$0x10080] =	vst v63  }
0x49: {  	_ = 	snop  }
0x4a: {  	[hbm4b:s5+s2] =	stream.indirect_vreg.scatter [tilespmem:s13], [sflag:$0x1], $0x80, v3, vm0, $0xb8;
	[tilespmem:$0x10080] =	vst v63  }
0x4b: {  	_ = 	snop  }
0x4c: {  	[hbm4b:s6+s2] =	stream.indirect_vreg.scatter [tilespmem:s14], [sflag:$0x1], $0x80, v3, vm0, $0xb8;
	[tilespmem:$0x10080] =	vst v63  }
0x4d: {  	v3 =	vld [tilespmem:$0x20];
	_ =	sdelay $0x4  }
0x4e: {  	v62 =	vshll.u32 v3, $0x3  }
0x4f: {  	v3 =	vand.u32 $0x7, v3;
	v4 =	vand.u32 $0xFFFFFFC0, v62  }
0x50: {  	v3 =	vor.u32 v3, v4  }
0x51: {  	v4 =	vperm.xlane v3, v0;
	_ =	sdelay $0x1  }
0x52: {  	v4 =	vadd.s32 v1, v4;
	_ =	sdelay $0x4  }
0x53: {  	[hbm4b:s3+s2] =	stream.indirect_vreg.scatter [tilespmem:s15], [sflag:$0x1], $0x80, v4, vm0, $0xb8;
	[tilespmem:$0x10080] =	vst v63  }
0x54: {  	v3 =	vperm.xlane v3, v2  }
0x55: {  	[hbm4b:s4+s2] =	stream.indirect_vreg.scatter [tilespmem:s16], [sflag:$0x1], $0x80, v4, vm0, $0xb8;
	[tilespmem:$0x10080] =	vst v63  }
0x56: {  	v3 =	vadd.s32 v1, v3  }
0x57: {  	[hbm4b:s5+s2] =	stream.indirect_vreg.scatter [tilespmem:s17], [sflag:$0x1], $0x80, v4, vm0, $0xb8;
	[tilespmem:$0x10080] =	vst v63  }
0x58: {  	_ = 	snop  }
0x59: {  	[hbm4b:s6+s2] =	stream.indirect_vreg.scatter [tilespmem:s18], [sflag:$0x1], $0x80, v4, vm0, $0xb8;
	[tilespmem:$0x10080] =	vst v63  }
0x5a: {  	_ = 	snop  }
0x5b: {  	[hbm4b:s3+s2] =	stream.indirect_vreg.scatter [tilespmem:s19], [sflag:$0x1], $0x80, v3, vm0, $0xb8;
	[tilespmem:$0x10080] =	vst v63  }
0x5c: {  	_ = 	snop  }
0x5d: {  	[hbm4b:s4+s2] =	stream.indirect_vreg.scatter [tilespmem:s20], [sflag:$0x1], $0x80, v3, vm0, $0xb8;
	[tilespmem:$0x10080] =	vst v63  }
0x5e: {  	_ = 	snop  }
0x5f: {  	[hbm4b:s5+s2] =	stream.indirect_vreg.scatter [tilespmem:s21], [sflag:$0x1], $0x80, v3, vm0, $0xb8;
	[tilespmem:$0x10080] =	vst v63  }
0x60: {  	_ = 	snop  }
0x61: {  	[hbm4b:s6+s2] =	stream.indirect_vreg.scatter [tilespmem:s22], [sflag:$0x1], $0x80, v3, vm0, $0xb8;
	[tilespmem:$0x10080] =	vst v63  }
0x62: {  	v3 =	vld [tilespmem:$0x30];
	_ =	sdelay $0x4  }
0x63: {  	v63 =	vshll.u32 v3, $0x3  }
0x64: {  	v3 =	vand.u32 $0x7, v3;
	v4 =	vand.u32 $0xFFFFFFC0, v63  }
0x65: {  	v3 =	vor.u32 v3, v4  }
0x66: {  	v4 =	vperm.xlane v3, v0;
	_ =	sdelay $0x1  }
0x67: {  	v4 =	vadd.s32 v1, v4;
	_ =	sdelay $0x4  }
0x68: {  	[hbm4b:s3+s2] =	stream.indirect_vreg.scatter [tilespmem:s23], [sflag:$0x1], $0x80, v4, vm0, $0xb8;
	[tilespmem:$0x10080] =	vst v63  }
0x69: {  	v3 =	vperm.xlane v3, v2  }
0x6a: {  	[hbm4b:s4+s2] =	stream.indirect_vreg.scatter [tilespmem:s24], [sflag:$0x1], $0x80, v4, vm0, $0xb8;
	[tilespmem:$0x10080] =	vst v63  }
0x6b: {  	v3 =	vadd.s32 v1, v3  }
0x6c: {  	[hbm4b:s5+s2] =	stream.indirect_vreg.scatter [tilespmem:s25], [sflag:$0x1], $0x80, v4, vm0, $0xb8;
	[tilespmem:$0x10080] =	vst v63  }
0x6d: {  	_ = 	snop  }
0x6e: {  	[hbm4b:s6+s2] =	stream.indirect_vreg.scatter [tilespmem:s26], [sflag:$0x1], $0x80, v4, vm0, $0xb8;
	[tilespmem:$0x10080] =	vst v63  }
0x6f: {  	_ = 	snop  }
0x70: {  	[hbm4b:s3+s2] =	stream.indirect_vreg.scatter [tilespmem:s28], [sflag:$0x1], $0x80, v3, vm0, $0xb8;
	[tilespmem:$0x10080] =	vst v63  }
0x71: {  	_ = 	snop  }
0x72: {  	[hbm4b:s4+s2] =	stream.indirect_vreg.scatter [tilespmem:s29], [sflag:$0x1], $0x80, v3, vm0, $0xb8;
	[tilespmem:$0x10080] =	vst v63  }
0x73: {  	p0 =	sne.s32 s7, $0x1  }
0x74: {  	[hbm4b:s5+s2] =	stream.indirect_vreg.scatter [tilespmem:s30], [sflag:$0x1], $0x80, v3, vm0, $0xb8;
	[tilespmem:$0x10080] =	vst v63  }
.Ltmp0:
0x75: {  	_ = 	snop;
	(pc) =	sbr.rel @p0 .LBB2_1-.Ltmp0, $4  }
0x76: {  	[hbm4b:s6+s2] =	stream.indirect_vreg.scatter [tilespmem:s31], [sflag:$0x1], $0x80, v3, vm0, $0xb8;
	[tilespmem:$0x10080] =	vst v63  }
0x77: {  	_ =	swait.ge [sflag:s1], $0x10000  }
0x78: {  	[sflag:s1] =	ssyncset.done $0x0  }
0x79: {  	s7 =	sadd.s32 $0xFFFFFFFF, s7;
	[sflag:s1] =	ssyncadd.s32 $0xFFFF0000  }
0x7a: {  	_ =	sfence.sel $0x180000  }
0x7b: {  	[bflag:$0x0] =	sbarrier.arrive $0xFFFF  }
0x7c: {  	_ =	strace $0x90000047  }
0x7d: {  	s0 =	stileid.u32;
	[bflag:$0x2] =	sbarrier.arrive $0xFFFF  }
0x7e: {  	p0 =	sne.s32 s0, $0x0;
	s0 =	rddreg [dreg:$0x2]  }
0x7f: {  	s0 =	sadd.s32 @!p0 $0x100000, s0  }
0x80: {  	[sflag:s0] =	ssyncadd.tile.s32 @!p0 $0x1;
	_ =	shalt  }
.Lfunc_end2:
_tile_overlayer_lowered:
.L_overlay_start_2:
0x81: {  	(tag) =	ssettag $0x2  }
0x82: {  	s0 =	rddreg [dreg:$0x0];
	s2 =	stileid.u32  }
0x83: {  	s1 =	rddreg [dreg:$0x1];
	p0 =	sne.s32 s2, $0x0  }
0x84: {  	s3 =	rddreg [dreg:$0x2];
	[bflag:$0x3] =	sbarrier.arrive $0xFFFF;
	s2 =	simm.s32 @!p0 $0x1C02  }
0x85: {  	[timem:s3], [sflag:s2] =	dma.local @!p0 [hbm:s0], s1  }
0x86: {  	s0 =	simm.s32 @!p0 $0x2  }
0x87: {  	_ =	swait.ge @!p0 [sflag:s0], s1  }
0x88: {  	s1 =	ssub.s32 @!p0 $0x0, s1;
	[sflag:s0] =	ssyncset.done @!p0 $0x0  }
0x89: {  	[sflag:s0] =	ssyncadd.s32 @!p0 s1  }
0x8a: {  	[bflag:$0x3] =	sbarrier.arrive $0xFFFF  }
0x8b: {  	_ =	shalt  }

// kernel: kernel.9.cloned.1.call-start
scs
__scs_entry_jumppad:
0x0: {  	(pc) =	sbr.rel $0x88, $3  }
0x1: {  	(tag) =	ssettag $0x0;
	lr =	simm.s32 $0x1  }
0x2: {  	[smem:$0x3F9D] =	sst lr;
	_ =	strace $0xD0000000  }
0x3: {  	_ = 	snop  }
0x4: {  	_ = 	snop  }
0x5: {  	_ = 	snop  }
0x6: {  	_ = 	snop  }
0x7: {  	_ = 	snop  }
__scs_overlays_trampoline_lowered:
0x8: {  	[smem:$0x3FAC] =	sst s0  }
0x9: {  	[smem:$0x3FAD] =	sst s1  }
0xa: {  	[smem:$0x3FAE] =	sst s2  }
0xb: {  	[smem:$0x3FAF] =	sst s3  }
0xc: {  	[smem:$0x3FB0] =	sst s4  }
0xd: {  	[smem:$0x3FB1] =	sst s5  }
0xe: {  	[smem:$0x3FB2] =	sst s6  }
0xf: {  	[smem:$0x3FB3] =	sst s7  }
0x10: {  	[smem:$0x3FB4] =	sst s8  }
0x11: {  	[smem:$0x3FB5] =	sst s9;
	s0 =	simm.s32 @!p0 $0x0  }
0x12: {  	s1 =	sld [smem:$0x3F9B];
	s0 =	simm.s32 @p0 $0x1  }
0x13: {  	[smem:$0x3FB6] =	sst s0;
	s0 =	simm.s32 @!p1 $0x0  }
0x14: {  	s2 =	sld [smem:$0x3F9A];
	s0 =	simm.s32 @p1 $0x1  }
0x15: {  	[smem:$0x3FB7] =	sst s0;
	s0 =	simm.s32 @!p2 $0x0  }
0x16: {  	s3 =	sld [smem:$0x3FDB];
	s0 =	simm.s32 @p2 $0x1  }
0x17: {  	s4 =	simm.s32 $0x1BF5;
	[smem:$0x3FB9] =	sst s0  }
0x18: {  	s0 =	sld [smem:$0x3F9C];
	_ =	swait.ge [sflag:s4], $0x0  }
0x19: {  	s7 =	sld [smem:$0x3F9D]  }
0x1a: {  	s8 =	sadd.s32 $0xFFFFE003, lr  }
0x1b: {  	s9 =	sadd.s32 $0xFFFFFEF7, lr;
	s5 =	simm.s32 $0xFFFFFFFF;
	p2 =	slt.u32 s8, $0xFFFFF086  }
0x1c: {  	p1 =	slt.u32 s9, $0xF7A;
	s5 =	simm.s32 @!p2 $0x0  }
0x1d: {  	s5 =	simm.s32 @p1 $0x1;
	p0 =	seq.s32 s7, s2  }
0x1e: {  	s7 =	smul.u32 @!p0 $0xF7A, s2;
	p2 =	seq.s32 @!p0 s5, $0x0  }
0x1f: {  	s9 =	smul.u32 $0xF7A, s1;
	s8 =	simm.s32 @!p0 $0x1BF5;
	p2 =	por !p2, p0  }
0x20: {  	[sflag:s8] =	ssyncset.s32 @!p0 $0xFFFFF086;
	s6 =	sadd.s32 @!p0 s3, s7;
	s7 =	simm.s32 @!p0 $0x108  }
0x21: {  	s3 =	sadd.s32 s3, s9;
	s6 =	sadd.s32 @!p0 $0x88, s6;
	s7 =	simm.s32 @p2 $0x1082  }
0x22: {  	[simem:s7], [sflag:s8] =	dma.local @!p0 [hbm:s6], $0xF7A  }
0x23: {  	s9 =	sor.u32 $0xD0000000, s2;
	s6 =	simm.s32 $0x108;
	_ =	swait.ge @!p0 [sflag:s8], $0x0  }
0x24: {  	s3 =	sadd.s32 $0x88, s3;
	s6 =	simm.s32 @!p1 $0x1082;
	[sflag:s4] =	ssyncset.s32 $0xFFFFF086  }
0x25: {  	[simem:s6], [sflag:s4] =	dma.local [hbm:s3], $0xF7A  }
0x26: {  	[smem:$0x3F9D] =	sst s1;
	(tag) =	ssettag s2;
	_ =	strace s9  }
0x27: {  	s1 =	sld [smem:$0x3FAD]  }
0x28: {  	s2 =	sld [smem:$0x3FAE]  }
0x29: {  	s4 =	sld [smem:$0x3FB0]  }
0x2a: {  	p0 =	seq.s32 s5, $0x0;
	s5 =	sld [smem:$0x3FB1]  }
0x2b: {  	s6 =	sld [smem:$0x3FB2]  }
0x2c: {  	s7 =	sld [smem:$0x3FB3]  }
0x2d: {  	s3 =	simm.s32 $0x108;
	s8 =	sld [smem:$0x3FB4]  }
0x2e: {  	s3 =	simm.s32 @!p0 $0x1082;
	s9 =	sld [smem:$0x3FB5]  }
0x2f: {  	lr =	sadd.s32 s0, s3;
	s0 =	sld [smem:$0x3FAC]  }
0x30: {  	s3 =	sld [smem:$0x3FAF]  }
0x31: {  	[smem:$0x3FB8] =	sst s10  }
0x32: {  	s10 =	sld [smem:$0x3FB6];
	_ =	sdelay $0x3  }
0x33: {  	p0 =	seq.s32 s10, $0x1;
	s10 =	sld [smem:$0x3FB8];
	_ =	sdelay $0x3  }
0x34: {  	[smem:$0x3FB8] =	sst s10  }
0x35: {  	s10 =	sld [smem:$0x3FB7];
	_ =	sdelay $0x3  }
0x36: {  	p1 =	seq.s32 s10, $0x1;
	s10 =	sld [smem:$0x3FB8];
	_ =	sdelay $0x3  }
0x37: {  	[smem:$0x3FB8] =	sst s10  }
0x38: {  	s10 =	sld [smem:$0x3FB9]  }
0x39: {  	_ = 	snop;
	(pc) =	sbr.ind lr, $3  }
0x3a: {  	_ = 	snop  }
0x3b: {  	_ = 	snop  }
0x3c: {  	p2 =	seq.s32 s10, $0x1;
	s10 =	sld [smem:$0x3FB8]  }
0x3d: {  	_ =	shalt  }
0x3e: {  	_ =	shalt  }
0x3f: {  	_ =	shalt  }
0x40: {  	_ =	shalt  }
0x41: {  	_ =	shalt  }
0x42: {  	_ =	shalt  }
0x43: {  	_ =	shalt  }
0x44: {  	_ =	shalt  }
0x45: {  	_ =	shalt  }
0x46: {  	_ =	shalt  }
0x47: {  	_ =	shalt  }
0x48: {  	_ =	shalt  }
0x49: {  	_ =	shalt  }
0x4a: {  	_ =	shalt  }
0x4b: {  	_ =	shalt  }
0x4c: {  	_ =	shalt  }
0x4d: {  	_ =	shalt  }
0x4e: {  	_ =	shalt  }
0x4f: {  	_ =	shalt  }
0x50: {  	_ =	shalt  }
0x51: {  	_ =	shalt  }
0x52: {  	_ =	shalt  }
0x53: {  	_ =	shalt  }
0x54: {  	_ =	shalt  }
0x55: {  	_ =	shalt  }
0x56: {  	_ =	shalt  }
0x57: {  	_ =	shalt  }
0x58: {  	_ =	shalt  }
0x59: {  	_ =	shalt  }
0x5a: {  	_ =	shalt  }
0x5b: {  	_ =	shalt  }
0x5c: {  	_ =	shalt  }
0x5d: {  	_ =	shalt  }
0x5e: {  	_ =	shalt  }
0x5f: {  	_ =	shalt  }
0x60: {  	_ =	shalt  }
0x61: {  	_ =	shalt  }
0x62: {  	_ =	shalt  }
0x63: {  	_ =	shalt  }
0x64: {  	_ =	shalt  }
0x65: {  	_ =	shalt  }
0x66: {  	_ =	shalt  }
0x67: {  	_ =	shalt  }
0x68: {  	_ =	shalt  }
0x69: {  	_ =	shalt  }
0x6a: {  	_ =	shalt  }
0x6b: {  	_ =	shalt  }
0x6c: {  	_ =	shalt  }
0x6d: {  	_ =	shalt  }
0x6e: {  	_ =	shalt  }
0x6f: {  	_ =	shalt  }
0x70: {  	_ =	shalt  }
0x71: {  	_ =	shalt  }
0x72: {  	_ =	shalt  }
0x73: {  	_ =	shalt  }
0x74: {  	_ =	shalt  }
0x75: {  	_ =	shalt  }
0x76: {  	_ =	shalt  }
0x77: {  	_ =	shalt  }
0x78: {  	_ =	shalt  }
0x79: {  	_ =	shalt  }
0x7a: {  	_ =	shalt  }
0x7b: {  	_ =	shalt  }
0x7c: {  	_ =	shalt  }
0x7d: {  	_ =	shalt  }
0x7e: {  	_ =	shalt  }
0x7f: {  	_ =	shalt  }
0x80: {  	_ =	shalt  }
0x81: {  	_ =	shalt  }
0x82: {  	_ =	shalt  }
0x83: {  	_ =	shalt  }
0x84: {  	_ =	shalt  }
0x85: {  	_ =	shalt  }
0x86: {  	_ =	shalt  }
0x87: {  	_ =	shalt  }
.Lfunc_end0:
.L_simem_size_0:
called_computation.1_lowered:
.L_overlay_start_0:
0x88: {  	s2 =	sld [smem:$0x3FD9]  }
0x89: {  	s3 =	sld [smem:$0x3FFE];
	_ =	sdelay $0x1  }
0x8a: {  	s1 =	srdreg.scid  }
0x8b: {  	s0 =	sand.u32 $0x1, s1  }
0x8c: {  	s14 =	sshll.u32 s0, $0xA;
	s2 =	sadd.s32 s3, s2  }
0x8d: {  	s2 =	sadd.s32 s2, s14  }
0x8e: {  	[smem:$0x3FC4] =	sst s2  }
0x8f: {  	_ = 	snop  }
0x90: {  	s2 =	sld [smem:$0x3FD0];
	_ =	sdelay $0x2  }
0x91: {  	s15 =	simm.s32 $0xA;
	s4 =	simm.s32 $0x10  }
0x92: {  	[smem:s4], [sflag:s15] =	dma.local [hbm:s2], $0x1  }
0x93: {  	_ =	swait.eq [sflag:s15], $0x1  }
0x94: {  	[sflag:s15] =	ssyncset.done $0x0  }
0x95: {  	[sflag:s15] =	ssyncadd.s32 $0xFFFFFFFF  }
0x96: {  	s16 =	sld [smem:$0x10];
	(tm) =	ssettm $0x1  }
0x97: {  	s17 =	sld [smem:$0x3FFB];
	_ =	sdelay $0x3  }
0x98: {  	_ =	strace s17  }
0x99: {  	s3 =	sld [smem:$0x3FFC];
	_ =	sdelay $0x3  }
0x9a: {  	_ =	strace s3  }
0x9b: {  	s3 =	sld [smem:$0x3FFD];
	_ =	sdelay $0x3  }
0x9c: {  	_ =	strace s3  }
0x9d: {  	_ =	strace $0x8FFFFFFF  }
0x9e: {  	s18 =	sld [smem:$0x3FDB];
	_ =	sdelay $0x1  }
0x9f: {  	s19 =	simm.s32 $_scs_section_size  }
0xa0: {  	s5 =	simm.s32 $_size__tile_overlayer_lowered;
	s6 =	simm.s32 $_tile_overlayer_lowered  }
0xa1: {  	s22 =	simm.s32 $0x1BFF;
	s21 =	sshll.u32 s6, $0x1;
	s3 =	sadd.s32 s19, s18  }
0xa2: {  	s7 =	simm.s32 $0x0;
	s20 =	sshll.u32 s5, $0x1;
	s5 =	sadd.s32 s21, s3  }
0xa3: {  	[timem:s7], [sflag:s22] =	dma.local [hbm:s5], s20  }
0xa4: {  	_ =	swait.ge [sflag:s22], s20  }
0xa5: {  	s4 =	ssub.s32 $0x0, s20;
	[sflag:s22] =	ssyncset.done $0x0  }
0xa6: {  	[sflag:s22] =	ssyncadd.s32 s4;
	_ =	sdelay $0x1  }
0xa7: {  	s23 =	simm.s32 $0x1B8B  }
0xa8: {  	_ =	swait.ge [sflag:s23], $0x1  }
0xa9: {  	[sflag:s23] =	ssyncset.done $0x0  }
0xaa: {  	s25 =	simm.s32 $0x1B8E;
	s24 =	sld [smem:$0x3FFE];
	[sflag:s23] =	ssyncadd.s32 $0xFFFFFFFF  }
0xab: {  	s26 =	simm.s32 $execute0_lowered;
	[smem:$0x3FD2] =	sst s25  }
0xac: {  	s5 =	sshll.u32 s26, $0x1;
	_ =	strace $0x80000049;
	[dreg:$0x1] =	wrdreg $0xFFFFFFFF  }
0xad: {  	s28 =	simm.s32 $_size_execute0_lowered;
	s3 =	sadd.s32 s3, s5;
	[dreg:$0x0] =	wrdreg $0x0  }
0xae: {  	s5 =	sshll.u32 s28, $0x1;
	[dreg:$0x2] =	wrdreg s3  }
0xaf: {  	[dreg:$0x3] =	wrdreg s5  }
0xb0: {  	[dreg:$0x4] =	wrdreg $0xC0  }
0xb1: {  	_ =	task [dreg:s7], $0x5FFFF  }
0xb2: {  	[dreg:$0x1] =	wrdreg $0xFFFFFFFF  }
0xb3: {  	[dreg:$0x0] =	wrdreg $0x60  }
0xb4: {  	[dreg:$0x2] =	wrdreg s24  }
0xb5: {  	[dreg:$0x3] =	wrdreg s16  }
0xb6: {  	[dreg:$0x4] =	wrdreg $0x9  }
0xb7: {  	_ =	task.clear_ibuf [dreg:s7], $0x5FFFF;
	_ =	strace $0x90000049  }
0xb8: {  	s29 =	simm.s32 $0x9;
	_ =	strace $0x8000004B  }
0xb9: {  	_ =	swait.ge [sflag:s29], $0x1  }
0xba: {  	[sflag:s29] =	ssyncadd.s32 $0xFFFFFFFF  }
0xbb: {  	_ =	strace $0x9000004B  }
0xbc: {  	_ =	sfence  }
0xbd: {  	s30 =	sld [smem:$0x0];
	_ =	sdelay $0x2  }
0xbe: {  	s31 =	sshll.u32 s1, $0xD;
	s1 =	sshrl.u32 s1, $0x2  }
0xbf: {  	s3 =	sand.u32 $0x4000, s31;
	s1 =	sadd.s32 s1, s30  }
0xc0: {  	s0 =	sor.u32 s3, s0;
	s1 =	sshll.u32 s1, $0x11  }
0xc1: {  	s0 =	sor.u32 s1, s0  }
0xc2: {  	s0 =	sadd.s32 $0x8F2B, s0  }
0xc3: {  	[sflag:s0] =	ssyncadd.remote.s32 $0x1  }
0xc4: {  	_ =	sfence.sel $0xFFFF  }
0xc5: {  	[dreg:$0x0] =	wrdreg $0xFFFFFFFF;
	(pc) =	sbr.abs _section_cstart, $3  }
0xc6: {  	[dreg:$0x1] =	wrdreg $0xFFFFFFFF  }
0xc7: {  	_ =	task.clear_ibuf [dreg:s7], $0x2FFFF;
	_ =	strace $0x9FFFFFFF  }
0xc8: {  	(tm) =	ssettm $0x7FFFFFFF  }
0xc9: {  	_ =	shalt  }
tec
execute0_lowered:
.L_overlay_start_1:
0x0: {  	(tag) =	ssettag $0x1  }
0x1: {  	s1 =	srdreg.scid  }
0x2: {  	s0 =	stileid.u32;
	s6 =	rddreg [dreg:$0x0]  }
0x3: {  	s4 =	rddreg [dreg:$0x1];
	s18 =	simm.s32 $0x880;
	s19 =	simm.s32 $0x1080  }
0x4: {  	s20 =	simm.s32 $0x1880;
	s22 =	simm.s32 $0x2080;
	s23 =	simm.s32 $0x2880  }
0x5: {  	s7 =	simm.s32 $0x3080;
	s24 =	simm.s32 $0x3880;
	s8 =	simm.s32 $0x4080  }
0x6: {  	s25 =	simm.s32 $0x4880;
	s26 =	simm.s32 $0x5080;
	s1 =	sand.u32 $0x1, s1  }
0x7: {  	s9 =	simm.s32 $0x80;
	s2 =	sshll.u32 s0, $0x7;
	s3 =	sshll.u32 s1, $0x6  }
0x8: {  	s11 =	simm.s32 $0x6080;
	s3 =	sor.u32 s3, s2;
	s2 =	simm.s32 $0x0  }
0x9: {  	s12 =	simm.s32 $0x6880;
	s13 =	simm.s32 $0x7080;
	[smem:$0x7FF] =	sst s2  }
0xa: {  	s14 =	simm.s32 $0x7880;
	_ =	strace $0x8000004A;
	[dreg:$0x5] =	wrdreg s18  }
0xb: {  	s15 =	simm.s32 $0x8080;
	s16 =	simm.s32 $0x8880;
	[dreg:$0x6] =	wrdreg s19  }
0xc: {  	s17 =	simm.s32 $0x9080;
	s28 =	simm.s32 $0xE080;
	[dreg:$0x7] =	wrdreg s20  }
0xd: {  	s29 =	simm.s32 $0xE880;
	s30 =	simm.s32 $0xF080;
	[dreg:$0x8] =	wrdreg s22  }
0xe: {  	s31 =	simm.s32 $0xF880;
	s1 =	ssub.s32 $0x2, s1;
	[dreg:$0x9] =	wrdreg s23  }
0xf: {  	s21 =	sshrl.u32 s1, $0x1;
	s5 =	sshrl.u32 s3, $0x3;
	[dreg:$0xa] =	wrdreg s7  }
0x10: {  	s3 =	sshll.u32 s3, $0x7;
	s1 =	ssub.s32 s1, s21;
	[dreg:$0xb] =	wrdreg s24  }
0x11: {  	s21 =	simm.s32 $0xB080;
	s5 =	sadd.s32 s5, s6;
	[dreg:$0xc] =	wrdreg s8  }
0x12: {  	s3 =	sadd.s32 s4, s3;
	s4 =	sadd.s32 $0x1700, s6;
	[dreg:$0xd] =	wrdreg s25  }
0x13: {  	s7 =	smax.u32 s1, $0x1;
	s8 =	simm.s32 $0x2;
	[dreg:$0xe] =	wrdreg s26  }
0x14: {  	s18 =	simm.s32 $0x9880;
	s19 =	simm.s32 $0xA080;
	s20 =	simm.s32 $0xA880  }
0x15: {  	s22 =	simm.s32 $0xB880;
	s23 =	simm.s32 $0xC080;
	s24 =	simm.s32 $0xC880  }
0x16: {  	v2 =	vlaneseq.u32;
	s25 =	simm.s32 $0xD080;
	s26 =	simm.s32 $0xD880;
	s1 =	simm.s32 $0x1  }
0x17: {  	vm0 =	vmmov $0xffff;
	v1 =	vshrl.u32 v2, $0x3;
	s5 =	sadd.s32 $0x1400, s5;
	[dreg:$0x4] =	wrdreg s3;
	s3 =	sadd.s32 $0x1600, s6  }
0x18: {  	v0 =	vand.u32 $0x7, v2;
	v2 =	vor.u32 $0x8, v2;
	v1 =	vmul.u32 $0x8, v1;
	[dreg:$0x3] =	wrdreg s5;
	s5 =	sadd.s32 $0x1800, s6;
	s6 =	sadd.s32 $0x1900, s6  }
.LBB2_1:
0x19: {  	s0 =	rddreg [dreg:$0x3]  }
0x1a: {  	[tilespmem:s2], [sflag:$0x2] =	stream.linear.gather [hbm4b:s0+s2], $0x40, $0x38;
	[tilespmem:$0x10080] =	vst v63  }
0x1b: {  	_ =	swait.ge [sflag:s8], $0x40  }
0x1c: {  	[sflag:s8] =	ssyncset.done $0x0  }
0x1d: {  	[sflag:s8] =	ssyncadd.s32 $0xFFFFFFC0  }
0x1e: {  	v3 =	vld [tilespmem:$0x0];
	_ =	sdelay $0x4  }
0x1f: {  	v4 =	vshll.u32 v3, $0x3  }
0x20: {  	v3 =	vand.u32 $0x7, v3;
	v4 =	vand.u32 $0xFFFFFFC0, v4  }
0x21: {  	v3 =	vor.u32 v3, v4  }
0x22: {  	v4 =	vperm.xlane v3, v0;
	_ =	sdelay $0x1  }
0x23: {  	v4 =	vadd.s32 v1, v4;
	_ =	sdelay $0x4  }
0x24: {  	[tilespmem:s9], [sflag:$0x1] =	stream.indirect_vreg.gather [hbm4b:s3+s2], $0x80, v4, vm0, $0xb8;
	[tilespmem:$0x10080] =	vst v63  }
0x25: {  	s0 =	rddreg [dreg:$0x5];
	v3 =	vperm.xlane v3, v2  }
0x26: {  	[tilespmem:s0], [sflag:$0x1] =	stream.indirect_vreg.gather [hbm4b:s4+s2], $0x80, v4, vm0, $0xb8;
	[tilespmem:$0x10080] =	vst v63  }
0x27: {  	s10 =	rddreg [dreg:$0x6];
	v3 =	vadd.s32 v1, v3  }
0x28: {  	[tilespmem:s10], [sflag:$0x1] =	stream.indirect_vreg.gather [hbm4b:s5+s2], $0x80, v4, vm0, $0xb8;
	[tilespmem:$0x10080] =	vst v63  }
0x29: {  	s0 =	rddreg [dreg:$0x7]  }
0x2a: {  	[tilespmem:s0], [sflag:$0x1] =	stream.indirect_vreg.gather [hbm4b:s6+s2], $0x80, v4, vm0, $0xb8;
	[tilespmem:$0x10080] =	vst v63  }
0x2b: {  	s10 =	rddreg [dreg:$0x8]  }
0x2c: {  	[tilespmem:s10], [sflag:$0x1] =	stream.indirect_vreg.gather [hbm4b:s3+s2], $0x80, v3, vm0, $0xb8;
	[tilespmem:$0x10080] =	vst v63  }
0x2d: {  	s0 =	rddreg [dreg:$0x9]  }
0x2e: {  	[tilespmem:s0], [sflag:$0x1] =	stream.indirect_vreg.gather [hbm4b:s4+s2], $0x80, v3, vm0, $0xb8;
	[tilespmem:$0x10080] =	vst v63  }
0x2f: {  	s10 =	rddreg [dreg:$0xa]  }
0x30: {  	[tilespmem:s10], [sflag:$0x1] =	stream.indirect_vreg.gather [hbm4b:s5+s2], $0x80, v3, vm0, $0xb8;
	[tilespmem:$0x10080] =	vst v63  }
0x31: {  	s0 =	rddreg [dreg:$0xb]  }
0x32: {  	[tilespmem:s0], [sflag:$0x1] =	stream.indirect_vreg.gather [hbm4b:s6+s2], $0x80, v3, vm0, $0xb8;
	[tilespmem:$0x10080] =	vst v63  }
0x33: {  	v3 =	vld [tilespmem:$0x10];
	_ =	sdelay $0x4  }
0x34: {  	v61 =	vshll.u32 v3, $0x3  }
0x35: {  	v3 =	vand.u32 $0x7, v3;
	v4 =	vand.u32 $0xFFFFFFC0, v61  }
0x36: {  	v3 =	vor.u32 v3, v4  }
0x37: {  	v4 =	vperm.xlane v3, v0;
	_ =	sdelay $0x1  }
0x38: {  	v4 =	vadd.s32 v1, v4;
	_ =	sdelay $0x3  }
0x39: {  	s0 =	rddreg [dreg:$0xc]  }
0x3a: {  	[tilespmem:s0], [sflag:$0x1] =	stream.indirect_vreg.gather [hbm4b:s3+s2], $0x80, v4, vm0, $0xb8;
	[tilespmem:$0x10080] =	vst v63  }
0x3b: {  	s10 =	rddreg [dreg:$0xd];
	v3 =	vperm.xlane v3, v2  }
0x3c: {  	[tilespmem:s10], [sflag:$0x1] =	stream.indirect_vreg.gather [hbm4b:s4+s2], $0x80, v4, vm0, $0xb8;
	[tilespmem:$0x10080] =	vst v63  }
0x3d: {  	v3 =	vadd.s32 v1, v3;
	s0 =	rddreg [dreg:$0xe]  }
0x3e: {  	[tilespmem:s0], [sflag:$0x1] =	stream.indirect_vreg.gather [hbm4b:s5+s2], $0x80, v4, vm0, $0xb8;
	[tilespmem:$0x10080] =	vst v63  }
0x3f: {  	s10 =	simm.s32 $0x5880  }
0x40: {  	[tilespmem:s10], [sflag:$0x1] =	stream.indirect_vreg.gather [hbm4b:s6+s2], $0x80, v4, vm0, $0xb8;
	[tilespmem:$0x10080] =	vst v63  }
0x41: {  	_ = 	snop  }
0x42: {  	[tilespmem:s11], [sflag:$0x1] =	stream.indirect_vreg.gather [hbm4b:s3+s2], $0x80, v3, vm0, $0xb8;
	[tilespmem:$0x10080] =	vst v63  }
0x43: {  	_ = 	snop  }
0x44: {  	[tilespmem:s12], [sflag:$0x1] =	stream.indirect_vreg.gather [hbm4b:s4+s2], $0x80, v3, vm0, $0xb8;
	[tilespmem:$0x10080] =	vst v63  }
0x45: {  	_ = 	snop  }
0x46: {  	[tilespmem:s13], [sflag:$0x1] =	stream.indirect_vreg.gather [hbm4b:s5+s2], $0x80, v3, vm0, $0xb8;
	[tilespmem:$0x10080] =	vst v63  }
0x47: {  	_ = 	snop  }
0x48: {  	[tilespmem:s14], [sflag:$0x1] =	stream.indirect_vreg.gather [hbm4b:s6+s2], $0x80, v3, vm0, $0xb8;
	[tilespmem:$0x10080] =	vst v63  }
0x49: {  	v3 =	vld [tilespmem:$0x20];
	_ =	sdelay $0x4  }
0x4a: {  	v62 =	vshll.u32 v3, $0x3  }
0x4b: {  	v3 =	vand.u32 $0x7, v3;
	v4 =	vand.u32 $0xFFFFFFC0, v62  }
0x4c: {  	v3 =	vor.u32 v3, v4  }
0x4d: {  	v4 =	vperm.xlane v3, v0;
	_ =	sdelay $0x1  }
0x4e: {  	v4 =	vadd.s32 v1, v4;
	_ =	sdelay $0x4  }
0x4f: {  	[tilespmem:s15], [sflag:$0x1] =	stream.indirect_vreg.gather [hbm4b:s3+s2], $0x80, v4, vm0, $0xb8;
	[tilespmem:$0x10080] =	vst v63  }
0x50: {  	v3 =	vperm.xlane v3, v2  }
0x51: {  	[tilespmem:s16], [sflag:$0x1] =	stream.indirect_vreg.gather [hbm4b:s4+s2], $0x80, v4, vm0, $0xb8;
	[tilespmem:$0x10080] =	vst v63  }
0x52: {  	v3 =	vadd.s32 v1, v3  }
0x53: {  	[tilespmem:s17], [sflag:$0x1] =	stream.indirect_vreg.gather [hbm4b:s5+s2], $0x80, v4, vm0, $0xb8;
	[tilespmem:$0x10080] =	vst v63  }
0x54: {  	_ = 	snop  }
0x55: {  	[tilespmem:s18], [sflag:$0x1] =	stream.indirect_vreg.gather [hbm4b:s6+s2], $0x80, v4, vm0, $0xb8;
	[tilespmem:$0x10080] =	vst v63  }
0x56: {  	_ = 	snop  }
0x57: {  	[tilespmem:s19], [sflag:$0x1] =	stream.indirect_vreg.gather [hbm4b:s3+s2], $0x80, v3, vm0, $0xb8;
	[tilespmem:$0x10080] =	vst v63  }
0x58: {  	_ = 	snop  }
0x59: {  	[tilespmem:s20], [sflag:$0x1] =	stream.indirect_vreg.gather [hbm4b:s4+s2], $0x80, v3, vm0, $0xb8;
	[tilespmem:$0x10080] =	vst v63  }
0x5a: {  	_ = 	snop  }
0x5b: {  	[tilespmem:s21], [sflag:$0x1] =	stream.indirect_vreg.gather [hbm4b:s5+s2], $0x80, v3, vm0, $0xb8;
	[tilespmem:$0x10080] =	vst v63  }
0x5c: {  	_ = 	snop  }
0x5d: {  	[tilespmem:s22], [sflag:$0x1] =	stream.indirect_vreg.gather [hbm4b:s6+s2], $0x80, v3, vm0, $0xb8;
	[tilespmem:$0x10080] =	vst v63  }
0x5e: {  	v3 =	vld [tilespmem:$0x30];
	_ =	sdelay $0x4  }
0x5f: {  	v63 =	vshll.u32 v3, $0x3  }
0x60: {  	v3 =	vand.u32 $0x7, v3;
	v4 =	vand.u32 $0xFFFFFFC0, v63  }
0x61: {  	v3 =	vor.u32 v3, v4  }
0x62: {  	v4 =	vperm.xlane v3, v0;
	_ =	sdelay $0x1  }
0x63: {  	v4 =	vadd.s32 v1, v4;
	_ =	sdelay $0x4  }
0x64: {  	[tilespmem:s23], [sflag:$0x1] =	stream.indirect_vreg.gather [hbm4b:s3+s2], $0x80, v4, vm0, $0xb8;
	[tilespmem:$0x10080] =	vst v63  }
0x65: {  	v3 =	vperm.xlane v3, v2  }
0x66: {  	[tilespmem:s24], [sflag:$0x1] =	stream.indirect_vreg.gather [hbm4b:s4+s2], $0x80, v4, vm0, $0xb8;
	[tilespmem:$0x10080] =	vst v63  }
0x67: {  	v3 =	vadd.s32 v1, v3  }
0x68: {  	[tilespmem:s25], [sflag:$0x1] =	stream.indirect_vreg.gather [hbm4b:s5+s2], $0x80, v4, vm0, $0xb8;
	[tilespmem:$0x10080] =	vst v63  }
0x69: {  	_ = 	snop  }
0x6a: {  	[tilespmem:s26], [sflag:$0x1] =	stream.indirect_vreg.gather [hbm4b:s6+s2], $0x80, v4, vm0, $0xb8;
	[tilespmem:$0x10080] =	vst v63  }
0x6b: {  	_ = 	snop  }
0x6c: {  	[tilespmem:s28], [sflag:$0x1] =	stream.indirect_vreg.gather [hbm4b:s3+s2], $0x80, v3, vm0, $0xb8;
	[tilespmem:$0x10080] =	vst v63  }
0x6d: {  	_ = 	snop  }
0x6e: {  	[tilespmem:s29], [sflag:$0x1] =	stream.indirect_vreg.gather [hbm4b:s4+s2], $0x80, v3, vm0, $0xb8;
	[tilespmem:$0x10080] =	vst v63  }
0x6f: {  	_ = 	snop  }
0x70: {  	[tilespmem:s30], [sflag:$0x1] =	stream.indirect_vreg.gather [hbm4b:s5+s2], $0x80, v3, vm0, $0xb8;
	[tilespmem:$0x10080] =	vst v63  }
0x71: {  	_ = 	snop  }
0x72: {  	[tilespmem:s31], [sflag:$0x1] =	stream.indirect_vreg.gather [hbm4b:s6+s2], $0x80, v3, vm0, $0xb8;
	[tilespmem:$0x10080] =	vst v63  }
0x73: {  	_ =	swait.ge [sflag:s1], $0x10000  }
0x74: {  	p0 =	sne.s32 s7, $0x1;
	[sflag:s1] =	ssyncset.done $0x0  }
.Ltmp0:
0x75: {  	s10 =	rddreg [dreg:$0x4];
	[sflag:s1] =	ssyncadd.s32 $0xFFFF0000;
	(pc) =	sbr.rel @p0 .LBB2_1-.Ltmp0, $4  }
0x76: {  	[hbm4b:s10+s2] =	stream.linear.scatter [tilespmem:s9], [sflag:$0x2], $0x10000, $0x38;
	[tilespmem:$0x10080] =	vst v63  }
0x77: {  	_ =	swait.ge [sflag:s8], $0x10000  }
0x78: {  	[sflag:s8] =	ssyncset.done $0x0  }
0x79: {  	s7 =	sadd.s32 $0xFFFFFFFF, s7;
	[sflag:s8] =	ssyncadd.s32 $0xFFFF0000  }
0x7a: {  	_ =	sfence.sel $0x180000  }
0x7b: {  	[bflag:$0x0] =	sbarrier.arrive $0xFFFF  }
0x7c: {  	_ =	strace $0x9000004A  }
0x7d: {  	s0 =	stileid.u32;
	[bflag:$0x2] =	sbarrier.arrive $0xFFFF  }
0x7e: {  	p0 =	sne.s32 s0, $0x0;
	s0 =	rddreg [dreg:$0x2]  }
0x7f: {  	s0 =	sadd.s32 @!p0 $0x100000, s0  }
0x80: {  	[sflag:s0] =	ssyncadd.tile.s32 @!p0 $0x1;
	_ =	shalt  }
.Lfunc_end2:
_tile_overlayer_lowered:
.L_overlay_start_2:
0x81: {  	(tag) =	ssettag $0x2  }
0x82: {  	s0 =	rddreg [dreg:$0x0];
	s2 =	stileid.u32  }
0x83: {  	s1 =	rddreg [dreg:$0x1];
	p0 =	sne.s32 s2, $0x0  }
0x84: {  	s3 =	rddreg [dreg:$0x2];
	[bflag:$0x3] =	sbarrier.arrive $0xFFFF;
	s2 =	simm.s32 @!p0 $0x1C02  }
0x85: {  	[timem:s3], [sflag:s2] =	dma.local @!p0 [hbm:s0], s1  }
0x86: {  	s0 =	simm.s32 @!p0 $0x2  }
0x87: {  	_ =	swait.ge @!p0 [sflag:s0], s1  }
0x88: {  	s1 =	ssub.s32 @!p0 $0x0, s1;
	[sflag:s0] =	ssyncset.done @!p0 $0x0  }
0x89: {  	[sflag:s0] =	ssyncadd.s32 @!p0 s1  }
0x8a: {  	[bflag:$0x3] =	sbarrier.arrive $0xFFFF  }
0x8b: {  	_ =	shalt  }

</sc_bundles>
